<compile_context>
chip_gen: v7x
topology: tpu7x:2x2x1
jax: 0.10.2.dev20260603
libtpu: 0.0.44.dev20260713+nightly
codegen_flags: <defaults>
</compile_context>

<pallas_src>
import jax
import jax.numpy as jnp
from jax.experimental import pallas as pl
from jax.experimental.pallas import tpu as pltpu
from jax.experimental.pallas import tpu_sc as plsc

N = 64
C = 1024
H = 14
W = 14
HW = H * W
K = 8
COUT = 256
P = 49
NSTEP = HW // P


def _pass1_body(x_ref, rows_ref, cols_ref, ind_ref, fsum_scr):
    i = pl.program_id(0)
    fsum_scr[i] = jnp.sum(x_ref[...], axis=2)

    @pl.when(i == NSTEP - 1)
    def _select():
        fs = jnp.transpose(fsum_scr[...].reshape(HW, N))
        fi = fs[:, :, None]
        fj = fs[:, None, :]
        ii = jax.lax.broadcasted_iota(jnp.int32, (N, HW, HW), 1)
        jj = jax.lax.broadcasted_iota(jnp.int32, (N, HW, HW), 2)
        before = (fi > fj) | ((fi == fj) & (ii < jj))
        rank = jnp.sum(before.astype(jnp.int32), axis=1)

        kk = jax.lax.broadcasted_iota(jnp.int32, (N, 16, HW), 1)
        targets = jnp.where(kk < K, kk, kk + (HW // 2 - K // 2 - 1 - K))
        onehot = (rank[:, None, :] == targets)
        pp = jax.lax.broadcasted_iota(jnp.int32, (N, 16, HW), 2)
        idx = jnp.sum(jnp.where(onehot, pp, 0), axis=2)

        rows_ref[...] = idx // W
        cols_ref[...] = idx - (idx // W) * W
        nn = jax.lax.broadcasted_iota(jnp.int32, (N, 16), 0)
        lin = idx * N + nn
        ind_ref[...] = jnp.concatenate(
            [lin[:, :K].reshape(4, 128), lin[:, K:].reshape(4, 128)], axis=0)


def _sc_gather(x2d, ind):
    nw = 2 * 16
    b_per_w = 2 * N * K // nw
    mesh = plsc.VectorSubcoreMesh(core_axis_name="c", subcore_axis_name="s")

    @pl.kernel(out_type=jax.ShapeDtypeStruct((2 * N * K, C), jnp.float32),
               mesh=mesh,
               scratch_types=[
                   pltpu.VMEM((b_per_w,), jnp.int32),
                   pltpu.VMEM((b_per_w, C), jnp.float32),
                   pltpu.SemaphoreType.DMA,
               ])
    def gather_kernel(x_hbm, i_hbm, o_hbm, idx_v, rows_v, sem):
        wid = jax.lax.axis_index("s") * 2 + jax.lax.axis_index("c")
        base = wid * b_per_w
        pltpu.sync_copy(i_hbm.at[pl.ds(base, b_per_w)], idx_v)
        pltpu.async_copy(x_hbm.at[idx_v], rows_v, sem).wait()
        pltpu.sync_copy(rows_v, o_hbm.at[pl.ds(base, b_per_w)])

    return gather_kernel(x2d, ind)


def _pass3_body(g_ref, wmax_ref, wmed_ref,
                gmax_g_ref, gmax_b_ref, gmed_g_ref, gmed_b_ref,
                rows_ref, cols_ref, ymax_ref, ymed_ref):
    rows = rows_ref[...].astype(jnp.float32)
    cols = cols_ref[...].astype(jnp.float32)

    def branch(g, w_ref, gamma_ref, beta_ref, sl, y_ref):
        x = jax.lax.dot_general(
            g, w_ref[...],
            dimension_numbers=(((1,), (1,)), ((), ())),
            preferred_element_type=jnp.float32)
        mean = jnp.mean(x, axis=0, keepdims=True)
        var = jnp.mean((x - mean) ** 2, axis=0, keepdims=True)
        x = (x - mean) / jnp.sqrt(var + 1e-5) * gamma_ref[...] + beta_ref[...]
        x = jnp.maximum(x, 0.0)
        x = x.reshape(N, K, COUT)

        r = rows[:, sl:sl + K]
        c = cols[:, sl:sl + K]
        dr = r[:, :, None] - r[:, None, :]
        dc = c[:, :, None] - c[:, None, :]
        d = jnp.sqrt(dr * dr + dc * dc)
        dmax = jnp.max(d, axis=(1, 2), keepdims=True)
        a = jnp.exp(-d / (dmax + 1e-6))
        i1 = jax.lax.broadcasted_iota(jnp.int32, (N, K, K), 1)
        i2 = jax.lax.broadcasted_iota(jnp.int32, (N, K, K), 2)
        a = a + (i1 == i2).astype(jnp.float32)
        deg = jnp.sum(a, axis=2)
        dinv = 1.0 / jnp.sqrt(deg + 1e-6)
        lap = a * dinv[:, :, None] * dinv[:, None, :]

        y = jnp.zeros((N, K, COUT), jnp.float32)
        for j in range(K):
            y = y + lap[:, :, j][:, :, None] * x[:, j, :][:, None, :]
        for k in range(K):
            y_ref[:, k * COUT:(k + 1) * COUT] = y[:, k, :]

    branch(g_ref[0:N * K, :], wmax_ref, gmax_g_ref, gmax_b_ref, 0, ymax_ref)
    branch(g_ref[N * K:2 * N * K, :], wmed_ref, gmed_g_ref, gmed_b_ref, K,
           ymed_ref)


def kernel(fpam_output, resnet_output, conv_max_w, conv_med_w,
           bn_max_gamma, bn_max_beta, bn_med_gamma, bn_med_beta):
    del resnet_output
    xt = jnp.transpose(fpam_output, (2, 3, 0, 1)).reshape(HW, N, C)

    rows, cols, ind2d = pl.pallas_call(
        _pass1_body,
        grid=(NSTEP,),
        in_specs=[pl.BlockSpec((P, N, C), lambda i: (i, 0, 0))],
        out_specs=[
            pl.BlockSpec((N, 16), lambda i: (0, 0)),
            pl.BlockSpec((N, 16), lambda i: (0, 0)),
            pl.BlockSpec((8, 128), lambda i: (0, 0)),
        ],
        out_shape=[
            jax.ShapeDtypeStruct((N, 16), jnp.int32),
            jax.ShapeDtypeStruct((N, 16), jnp.int32),
            jax.ShapeDtypeStruct((8, 128), jnp.int32),
        ],
        scratch_shapes=[pltpu.VMEM((NSTEP, P, N), jnp.float32)],
    )(xt)

    g = _sc_gather(xt.reshape(HW * N, C), ind2d.reshape(2 * N * K))

    ymax, ymed = pl.pallas_call(
        _pass3_body,
        out_shape=[
            jax.ShapeDtypeStruct((N, K * COUT), jnp.float32),
            jax.ShapeDtypeStruct((N, K * COUT), jnp.float32),
        ],
    )(g, conv_max_w, conv_med_w,
      bn_max_gamma.reshape(1, COUT), bn_max_beta.reshape(1, COUT),
      bn_med_gamma.reshape(1, COUT), bn_med_beta.reshape(1, COUT),
      rows, cols)

    return (ymax, ymed, rows, cols)

# --- scband reference (transcript-rebuilt; emitter-appended) ---
"""Pipeline reference for scband-agcn-max-med-fusion-61237643706585 (READ-ONLY COPY).

The authoritative reference and input builder live on the scoring server;
editing this copy changes nothing except your own understanding.
"""

import jax, jax.numpy as jnp
import numpy as np

NODES = 8
BATCH = 64
C_IN = 1024
C_OUT = 256
H = 14
W = 14


def _dynamic_lnorm(rows, columns, nodes_num):
    # Build adjacency from spatial distances between selected nodes, per-batch.
    # rows/columns: int arrays [N, 2*nodes_num]
    coords = jnp.stack([rows.astype(jnp.float32), columns.astype(jnp.float32)], axis=-1)  # [N, 2K, 2]
    top = coords[:, :nodes_num]   # [N, K, 2]
    med = coords[:, nodes_num:]   # [N, K, 2]

    def lnorm(c):
        # c: [N, K, 2]
        d = jnp.linalg.norm(c[:, :, None, :] - c[:, None, :, :], axis=-1)  # [N, K, K]
        A = jnp.exp(-d / (d.max(axis=(1, 2), keepdims=True) + 1e-6))
        K = c.shape[1]
        A = A + jnp.eye(K, dtype=A.dtype)[None]
        deg = jnp.sum(A, axis=-1)
        dinv = 1.0 / jnp.sqrt(deg + 1e-6)
        return A * dinv[:, :, None] * dinv[:, None, :]

    return lnorm(top), lnorm(med)


def setup_inputs(seed: int = 0) -> dict:
    key = jax.random.key(seed)
    k1, k2, k3, k4 = jax.random.split(key, 4)
    fpam_output = jax.random.normal(k1, (BATCH, C_IN, H, W), dtype=jnp.float32)
    resnet_output = jax.random.normal(k2, (BATCH, 2048), dtype=jnp.float32)
    conv_max_w = jax.random.normal(k3, (C_OUT, C_IN), dtype=jnp.float32) * 0.02
    conv_med_w = jax.random.normal(k4, (C_OUT, C_IN), dtype=jnp.float32) * 0.02
    bn_max_gamma = jnp.ones((C_OUT,), jnp.float32)
    bn_max_beta = jnp.zeros((C_OUT,), jnp.float32)
    bn_med_gamma = jnp.ones((C_OUT,), jnp.float32)
    bn_med_beta = jnp.zeros((C_OUT,), jnp.float32)
    return {
        "fpam_output": fpam_output,
        "resnet_output": resnet_output,
        "conv_max_w": conv_max_w,
        "conv_med_w": conv_med_w,
        "bn_max_gamma": bn_max_gamma,
        "bn_max_beta": bn_max_beta,
        "bn_med_gamma": bn_med_gamma,
        "bn_med_beta": bn_med_beta,
    }


def _bn(x, gamma, beta):
    # batchnorm over batch dim (training-mode stats), x: [M, C]
    mean = jnp.mean(x, axis=0, keepdims=True)
    var = jnp.var(x, axis=0, keepdims=True)
    return (x - mean) / jnp.sqrt(var + 1e-5) * gamma[None] + beta[None]


def reference(fpam_output, resnet_output, conv_max_w, conv_med_w,
              bn_max_gamma, bn_max_beta, bn_med_gamma, bn_med_beta):
    nodes_num = NODES
    N = fpam_output.shape[0]
    Hh = fpam_output.shape[2]
    Ww = fpam_output.shape[3]
    HW = Hh * Ww

    # channel-sum saliency, sort descending over spatial positions
    Fre = jnp.sum(fpam_output, axis=1)            # [N, H, W]
    feature = Fre.reshape(N, HW)                  # [N, HW]
    indices = jnp.argsort(-feature, axis=1)       # descending
    maxK_index = indices[:, 0:nodes_num]
    med_start = HW // 2 - nodes_num // 2 - 1
    medK_index = indices[:, med_start:med_start + nodes_num]
    scene_index = jnp.concatenate([maxK_index, medK_index], axis=1)  # [N, 2K]
    rows = scene_index // Hh
    columns = scene_index % Hh

    # gather node features: Feature[i, :, rows[i,j], columns[i,j]]
    flat = fpam_output.reshape(N, fpam_output.shape[1], HW)  # [N, C, HW]
    lin = rows * Ww + columns                                # [N, 2K]
    graph_batch = jnp.take_along_axis(flat, lin[:, None, :], axis=2)  # [N, C, 2K]
    graph_batch = jnp.transpose(graph_batch, (0, 2, 1))      # [N, 2K, C]

    Lnormtop, Lnormmed = _dynamic_lnorm(rows, columns, nodes_num)  # [N,K,K] each

    scene_max_graph = graph_batch[:, 0:nodes_num]       # [N, K, C]
    scene_med_graph = graph_batch[:, nodes_num:2 * nodes_num]

    # 1x1 conv + BN + ReLU on flattened (N*K, C)
    x_max = scene_max_graph.reshape(N * nodes_num, -1) @ conv_max_w.T  # [N*K, 256]
    x_max = jax.nn.relu(_bn(x_max, bn_max_gamma, bn_max_beta))
    x_max = x_max.reshape(N, nodes_num, -1)

    x_med = scene_med_graph.reshape(N * nodes_num, -1) @ conv_med_w.T
    x_med = jax.nn.relu(_bn(x_med, bn_med_gamma, bn_med_beta))
    x_med = x_med.reshape(N, nodes_num, -1)

    # batched graph conv: Lnorm @ x, then flatten per sample
    y_max = jnp.einsum('nij,njc->nic', Lnormtop, x_max)   # [N, K, 256]
    y_med = jnp.einsum('nij,njc->nic', Lnormmed, x_med)
    max_graph = y_max.reshape(N, -1)
    med_graph = y_med.reshape(N, -1)

    return (max_graph, med_graph, rows, columns)

if __name__ == "__main__":
    import jax
    _d = setup_inputs()
    print(jax.jit(kernel)(*tuple(_d.values())))

</pallas_src>

<mosaic_0001>
#map = affine_map<(d0, d1) -> (0, 0)>
#map1 = affine_map<(d0, d1) -> (0)>
module attributes {stable_mosaic.version = 14 : i64} {
  func.func @gather_kernel(%arg0: i32, %arg1: i32, %arg2: memref<12544x1024xf32, #tpu.memory_space<hbm>>, %arg3: memref<1024xi32, #tpu.memory_space<hbm>>, %arg4: memref<1024x1024xf32, #tpu.memory_space<hbm>>, %arg5: memref<32xi32, #tpu.memory_space<vmem>>, %arg6: memref<32x1024xf32, #tpu.memory_space<vmem>>, %arg7: memref<!tpu.dma_semaphore, #tpu.memory_space<semaphore_mem>>) attributes {dimension_semantics = [#tpu.dimension_semantics<core_parallel>, #tpu.dimension_semantics<subcore_parallel>], iteration_bounds = array<i64: 2, 16>, scalar_prefetch = 0 : i64, scratch_operands = 3 : i64, tpu.core_type = #tpu.core_type<sc_vector_subcore>, window_params = [{transform_indices = #map}, {transform_indices = #map1}, {transform_indices = #map}]} {
    %mul3A = arith.constant 2 : i32
    %mul3A_0 = arith.muli %arg1, %mul3A : i32
    %add3A = arith.addi %mul3A_0, %arg0 : i32
    %mul3A_1 = arith.constant 32 : i32
    %mul3A_2 = arith.muli %add3A, %mul3A_1 : i32
    "tpu.region"() ({
      %run_scoped3A = tpu.sem_alloc : memref<!tpu.dma_semaphore, #tpu.memory_space<semaphore_mem>>
      %dma_start3A_7 = tpu.memref_slice %arg3[%mul3A_2] : memref<1024xi32, #tpu.memory_space<hbm>> -> memref<32xi32, #tpu.memory_space<hbm>>
      %dma_start3A_8 = tpu.memref_slice %arg3[%mul3A_2] : memref<1024xi32, #tpu.memory_space<hbm>> -> memref<32xi32, #tpu.memory_space<hbm>>
      tpu.enqueue_dma source(%dma_start3A_8 : memref<32xi32, #tpu.memory_space<hbm>>) target(%arg5 : memref<32xi32, #tpu.memory_space<vmem>>) target_semaphore(%run_scoped3A : memref<!tpu.dma_semaphore, #tpu.memory_space<semaphore_mem>>)
      %dma_wait3A_9 = tpu.memref_slice %arg3[%mul3A_2] : memref<1024xi32, #tpu.memory_space<hbm>> -> memref<32xi32, #tpu.memory_space<hbm>>
      %dma_wait3A_10 = tpu.memref_slice %arg3[%mul3A_2] : memref<1024xi32, #tpu.memory_space<hbm>> -> memref<32xi32, #tpu.memory_space<hbm>>
      tpu.wait_dma2 semaphore(%run_scoped3A : memref<!tpu.dma_semaphore, #tpu.memory_space<semaphore_mem>>) src(%dma_wait3A_10 : memref<32xi32, #tpu.memory_space<hbm>>) dst(%arg5 : memref<32xi32, #tpu.memory_space<vmem>>)
      tpu.yield
    }) : () -> ()
    %dma_start3A = arith.constant 0 : i32
    %dma_start3A_3 = arith.constant 0 : i32
    %dma_start3A_4 = tpu.memref_slice %arg2[%dma_start3A, %dma_start3A_3] : memref<12544x1024xf32, #tpu.memory_space<hbm>> -> memref<12544x1024xf32, #tpu.memory_space<hbm>>
    tpu.enqueue_indirect_dma source(%dma_start3A_4 : memref<12544x1024xf32, #tpu.memory_space<hbm>>) target(%arg6 : memref<32x1024xf32, #tpu.memory_space<vmem>>) offsets(%arg5 : memref<32xi32, #tpu.memory_space<vmem>>) semaphore(%arg7 : memref<!tpu.dma_semaphore, #tpu.memory_space<semaphore_mem>>)
    %dma_wait3A = arith.constant 0 : i32
    %dma_wait3A_5 = arith.constant 0 : i32
    %dma_wait3A_6 = tpu.memref_slice %arg2[%dma_wait3A, %dma_wait3A_5] : memref<12544x1024xf32, #tpu.memory_space<hbm>> -> memref<12544x1024xf32, #tpu.memory_space<hbm>>
    tpu.wait_indirect_dma semaphore(%arg7 : memref<!tpu.dma_semaphore, #tpu.memory_space<semaphore_mem>>) src(%dma_wait3A_6 : memref<12544x1024xf32, #tpu.memory_space<hbm>>) dst(%arg6 : memref<32x1024xf32, #tpu.memory_space<vmem>>)
    "tpu.region"() ({
      %run_scoped3A = tpu.sem_alloc : memref<!tpu.dma_semaphore, #tpu.memory_space<semaphore_mem>>
      %dma_start3A_7 = arith.constant 0 : i32
      %dma_start3A_8 = tpu.memref_slice %arg4[%mul3A_2, %dma_start3A_7] : memref<1024x1024xf32, #tpu.memory_space<hbm>> -> memref<32x1024xf32, #tpu.memory_space<hbm>>
      %dma_start3A_9 = arith.constant 0 : i32
      %dma_start3A_10 = tpu.memref_slice %arg4[%mul3A_2, %dma_start3A_9] : memref<1024x1024xf32, #tpu.memory_space<hbm>> -> memref<32x1024xf32, #tpu.memory_space<hbm>>
      tpu.enqueue_dma source(%arg6 : memref<32x1024xf32, #tpu.memory_space<vmem>>) target(%dma_start3A_10 : memref<32x1024xf32, #tpu.memory_space<hbm>>) target_semaphore(%run_scoped3A : memref<!tpu.dma_semaphore, #tpu.memory_space<semaphore_mem>>)
      %dma_wait3A_11 = arith.constant 0 : i32
      %dma_wait3A_12 = tpu.memref_slice %arg4[%mul3A_2, %dma_wait3A_11] : memref<1024x1024xf32, #tpu.memory_space<hbm>> -> memref<32x1024xf32, #tpu.memory_space<hbm>>
      %dma_wait3A_13 = arith.constant 0 : i32
      %dma_wait3A_14 = tpu.memref_slice %arg4[%mul3A_2, %dma_wait3A_13] : memref<1024x1024xf32, #tpu.memory_space<hbm>> -> memref<32x1024xf32, #tpu.memory_space<hbm>>
      tpu.wait_dma2 semaphore(%run_scoped3A : memref<!tpu.dma_semaphore, #tpu.memory_space<semaphore_mem>>) src(%arg6 : memref<32x1024xf32, #tpu.memory_space<vmem>>) dst(%dma_wait3A_14 : memref<32x1024xf32, #tpu.memory_space<hbm>>)
      tpu.yield
    }) : () -> ()
    return
  }
}

module attributes {stable_mosaic.version = 14 : i64} {
  func.func @_pass1_body(%arg0: i32, %arg1: memref<49x64x1024xf32, #tpu.memory_space<vmem>>, %arg2: memref<64x16xi32, #tpu.memory_space<vmem>>, %arg3: memref<64x16xi32, #tpu.memory_space<vmem>>, %arg4: memref<8x128xi32, #tpu.memory_space<vmem>>, %arg5: memref<4x49x64xf32, #tpu.memory_space<vmem>>) attributes {dimension_semantics = [#tpu.dimension_semantics<arbitrary>], iteration_bounds = array<i64: 4>, scalar_prefetch = 0 : i64, scratch_operands = 1 : i64, tpu.core_type = #tpu.core_type<tc>, window_params = [{transform_indices = @transform_0, window_bounds = array<i64: 49, 64, 1024>}, {pipeline_mode = #tpu.pipeline_mode<synchronous>, transform_indices = @transform_1, window_bounds = array<i64: 64, 16>}, {pipeline_mode = #tpu.pipeline_mode<synchronous>, transform_indices = @transform_2, window_bounds = array<i64: 64, 16>}, {pipeline_mode = #tpu.pipeline_mode<synchronous>, transform_indices = @transform_3, window_bounds = array<i64: 8, 128>}]} {
    %get3A = arith.constant 0 : index
    %get3A_0 = arith.constant 0 : index
    %get3A_1 = arith.constant 0 : index
    %get3A_2 = vector.load %arg1[%get3A, %get3A_0, %get3A_1] : memref<49x64x1024xf32, #tpu.memory_space<vmem>>, vector<49x64x1024xf32>
    %reduce_sum3A = arith.constant dense<0.000000e+00> : vector<49x64xf32>
    %reduce_sum3A_3 = vector.multi_reduction <add>, %get3A_2, %reduce_sum3A [2] : vector<49x64x1024xf32> to vector<49x64xf32>
    %swap3A = arith.index_cast %arg0 : i32 to index
    %swap3A_4 = arith.constant 0 : index
    %swap3A_5 = arith.constant 0 : index
    %swap3A_6 = vector.load %arg5[%swap3A, %swap3A_4, %swap3A_5] : memref<4x49x64xf32, #tpu.memory_space<vmem>>, vector<1x49x64xf32>
    %swap3A_7 = vector.shape_cast %swap3A_6 : vector<1x49x64xf32> to vector<49x64xf32>
    %swap3A_8 = vector.shape_cast %reduce_sum3A_3 : vector<49x64xf32> to vector<1x49x64xf32>
    tpu.vector_store %arg5[%swap3A, %swap3A_4, %swap3A_5], %swap3A_8 {strides = array<i32>} : memref<4x49x64xf32, #tpu.memory_space<vmem>>, vector<1x49x64xf32>,
    %eq3A = arith.constant 3 : i32
    %eq3A_9 = arith.cmpi eq, %arg0, %eq3A : i32
    %convert_element_type3A = arith.extui %eq3A_9 : i1 to i32
    %cond3A = arith.constant 0 : i32
    %cond3A_10 = arith.cmpi ne, %convert_element_type3A, %cond3A : i32
    scf.if %cond3A_10 {
      %get3A_11 = arith.constant 0 : index
      %get3A_12 = arith.constant 0 : index
      %get3A_13 = arith.constant 0 : index
      %get3A_14 = vector.load %arg5[%get3A_11, %get3A_12, %get3A_13] : memref<4x49x64xf32, #tpu.memory_space<vmem>>, vector<4x49x64xf32>
      %reshape3A = vector.shape_cast %get3A_14 : vector<4x49x64xf32> to vector<196x64xf32>
      %transpose3A = tpu.transpose %reshape3A, [1, 0] : vector<196x64xf32> -> vector<64x196xf32>
      %broadcast_in_dim3A = vector.shape_cast %transpose3A : vector<64x196xf32> to vector<64x196x1xf32>
      %broadcast_in_dim3A_15 = vector.shape_cast %transpose3A : vector<64x196xf32> to vector<64x1x196xf32>
      %iota3A = tpu.iota {dimensions = array<i32: 1>} : vector<64x196x196xi32>
      %iota3A_16 = tpu.iota {dimensions = array<i32: 2>} : vector<64x196x196xi32>
      %gt3A = vector.broadcast %broadcast_in_dim3A : vector<64x196x1xf32> to vector<64x196x196xf32>
      %gt3A_17 = vector.broadcast %broadcast_in_dim3A_15 : vector<64x1x196xf32> to vector<64x196x196xf32>
      %gt3A_18 = arith.cmpf ogt, %gt3A, %gt3A_17 : vector<64x196x196xf32>
      %eq3A_19 = vector.broadcast %broadcast_in_dim3A : vector<64x196x1xf32> to vector<64x196x196xf32>
      %eq3A_20 = vector.broadcast %broadcast_in_dim3A_15 : vector<64x1x196xf32> to vector<64x196x196xf32>
      %eq3A_21 = arith.cmpf oeq, %eq3A_19, %eq3A_20 : vector<64x196x196xf32>
      %lt3A = arith.cmpi slt, %iota3A, %iota3A_16 : vector<64x196x196xi32>
      %and3A = arith.andi %eq3A_21, %lt3A : vector<64x196x196xi1>
      %or3A = arith.ori %gt3A_18, %and3A : vector<64x196x196xi1>
      %convert_element_type3A_22 = arith.extui %or3A : vector<64x196x196xi1> to vector<64x196x196xi32>
      %reduce_sum3A_23 = arith.constant dense<0> : vector<64x196xi32>
      %reduce_sum3A_24 = vector.multi_reduction <add>, %convert_element_type3A_22, %reduce_sum3A_23 [1] : vector<64x196x196xi32> to vector<64x196xi32>
      %iota3A_25 = tpu.iota {dimensions = array<i32: 1>} : vector<64x16x196xi32>
      %lt3A_26 = arith.constant 8 : i32
      %lt3A_27 = vector.broadcast %lt3A_26 : i32 to vector<64x16x196xi32>
      %lt3A_28 = arith.cmpi slt, %iota3A_25, %lt3A_27 : vector<64x16x196xi32>
      %add3A = arith.constant 85 : i32
      %add3A_29 = vector.broadcast %add3A : i32 to vector<64x16x196xi32>
      %add3A_30 = arith.addi %iota3A_25, %add3A_29 : vector<64x16x196xi32>
      %select_n3A = arith.select %lt3A_28, %iota3A_25, %add3A_30 : vector<64x16x196xi1>, vector<64x16x196xi32>
      %broadcast_in_dim3A_31 = vector.shape_cast %reduce_sum3A_24 : vector<64x196xi32> to vector<64x1x196xi32>
      %eq3A_32 = vector.broadcast %broadcast_in_dim3A_31 : vector<64x1x196xi32> to vector<64x16x196xi32>
      %eq3A_33 = arith.cmpi eq, %eq3A_32, %select_n3A : vector<64x16x196xi32>
      %iota3A_34 = tpu.iota {dimensions = array<i32: 2>} : vector<64x16x196xi32>
      %jit3A = arith.constant 0 : i32
      %broadcast_in_dim3A_35 = vector.broadcast %jit3A : i32 to vector<64x16x196xi32>
      %select_n3A_36 = arith.select %eq3A_33, %iota3A_34, %broadcast_in_dim3A_35 : vector<64x16x196xi1>, vector<64x16x196xi32>
      %reduce_sum3A_37 = arith.constant dense<0> : vector<64x16xi32>
      %reduce_sum3A_38 = vector.multi_reduction <add>, %select_n3A_36, %reduce_sum3A_37 [2] : vector<64x16x196xi32> to vector<64x16xi32>
      %jit3A_39 = arith.constant 14 : i32
      %div3A = vector.broadcast %jit3A_39 : i32 to vector<64x16xi32>
      %div3A_40 = arith.divsi %reduce_sum3A_38, %div3A : vector<64x16xi32>
      %sign3A = arith.constant 0 : i32
      %sign3A_41 = vector.broadcast %sign3A : i32 to vector<64x16xi32>
      %sign3A_42 = arith.cmpi sgt, %reduce_sum3A_38, %sign3A_41 : vector<64x16xi32>
      %sign3A_43 = arith.extui %sign3A_42 : vector<64x16xi1> to vector<64x16xi32>
      %sign3A_44 = arith.constant 0 : i32
      %sign3A_45 = vector.broadcast %sign3A_44 : i32 to vector<64x16xi32>
      %sign3A_46 = arith.cmpi slt, %reduce_sum3A_38, %sign3A_45 : vector<64x16xi32>
      %sign3A_47 = arith.extui %sign3A_46 : vector<64x16xi1> to vector<64x16xi32>
      %sign3A_48 = arith.subi %sign3A_43, %sign3A_47 : vector<64x16xi32>
      %sign3A_49 = arith.constant 0 : i32
      %sign3A_50 = arith.cmpi sgt, %jit3A_39, %sign3A_49 : i32
      %sign3A_51 = arith.extui %sign3A_50 : i1 to i32
      %sign3A_52 = arith.constant 0 : i32
      %sign3A_53 = arith.cmpi slt, %jit3A_39, %sign3A_52 : i32
      %sign3A_54 = arith.extui %sign3A_53 : i1 to i32
      %sign3A_55 = arith.subi %sign3A_51, %sign3A_54 : i32
      %ne3A = vector.broadcast %sign3A_55 : i32 to vector<64x16xi32>
      %ne3A_56 = arith.cmpi ne, %sign3A_48, %ne3A : vector<64x16xi32>
      %rem3A = vector.broadcast %jit3A_39 : i32 to vector<64x16xi32>
      %rem3A_57 = arith.remsi %reduce_sum3A_38, %rem3A : vector<64x16xi32>
      %ne3A_58 = arith.constant 0 : i32
      %ne3A_59 = vector.broadcast %ne3A_58 : i32 to vector<64x16xi32>
      %ne3A_60 = arith.cmpi ne, %rem3A_57, %ne3A_59 : vector<64x16xi32>
      %and3A_61 = arith.andi %ne3A_56, %ne3A_60 : vector<64x16xi1>
      %sub3A = arith.constant 1 : i32
      %sub3A_62 = vector.broadcast %sub3A : i32 to vector<64x16xi32>
      %sub3A_63 = arith.subi %div3A_40, %sub3A_62 : vector<64x16xi32>
      %select_n3A_64 = arith.select %and3A_61, %sub3A_63, %div3A_40 : vector<64x16xi1>, vector<64x16xi32>
      %swap3A_65 = arith.constant 0 : index
      %swap3A_66 = arith.constant 0 : index
      %swap3A_67 = vector.load %arg2[%swap3A_65, %swap3A_66] : memref<64x16xi32, #tpu.memory_space<vmem>>, vector<64x16xi32>
      tpu.vector_store %arg2[%swap3A_65, %swap3A_66], %select_n3A_64 {strides = array<i32>} : memref<64x16xi32, #tpu.memory_space<vmem>>, vector<64x16xi32>,
      %jit3A_68 = arith.constant 14 : i32
      %div3A_69 = vector.broadcast %jit3A_68 : i32 to vector<64x16xi32>
      %div3A_70 = arith.divsi %reduce_sum3A_38, %div3A_69 : vector<64x16xi32>
      %sign3A_71 = arith.constant 0 : i32
      %sign3A_72 = vector.broadcast %sign3A_71 : i32 to vector<64x16xi32>
      %sign3A_73 = arith.cmpi sgt, %reduce_sum3A_38, %sign3A_72 : vector<64x16xi32>
      %sign3A_74 = arith.extui %sign3A_73 : vector<64x16xi1> to vector<64x16xi32>
      %sign3A_75 = arith.constant 0 : i32
      %sign3A_76 = vector.broadcast %sign3A_75 : i32 to vector<64x16xi32>
      %sign3A_77 = arith.cmpi slt, %reduce_sum3A_38, %sign3A_76 : vector<64x16xi32>
      %sign3A_78 = arith.extui %sign3A_77 : vector<64x16xi1> to vector<64x16xi32>
      %sign3A_79 = arith.subi %sign3A_74, %sign3A_78 : vector<64x16xi32>
      %sign3A_80 = arith.constant 0 : i32
      %sign3A_81 = arith.cmpi sgt, %jit3A_68, %sign3A_80 : i32
      %sign3A_82 = arith.extui %sign3A_81 : i1 to i32
      %sign3A_83 = arith.constant 0 : i32
      %sign3A_84 = arith.cmpi slt, %jit3A_68, %sign3A_83 : i32
      %sign3A_85 = arith.extui %sign3A_84 : i1 to i32
      %sign3A_86 = arith.subi %sign3A_82, %sign3A_85 : i32
      %ne3A_87 = vector.broadcast %sign3A_86 : i32 to vector<64x16xi32>
      %ne3A_88 = arith.cmpi ne, %sign3A_79, %ne3A_87 : vector<64x16xi32>
      %rem3A_89 = vector.broadcast %jit3A_68 : i32 to vector<64x16xi32>
      %rem3A_90 = arith.remsi %reduce_sum3A_38, %rem3A_89 : vector<64x16xi32>
      %ne3A_91 = arith.constant 0 : i32
      %ne3A_92 = vector.broadcast %ne3A_91 : i32 to vector<64x16xi32>
      %ne3A_93 = arith.cmpi ne, %rem3A_90, %ne3A_92 : vector<64x16xi32>
      %and3A_94 = arith.andi %ne3A_88, %ne3A_93 : vector<64x16xi1>
      %sub3A_95 = arith.constant 1 : i32
      %sub3A_96 = vector.broadcast %sub3A_95 : i32 to vector<64x16xi32>
      %sub3A_97 = arith.subi %div3A_70, %sub3A_96 : vector<64x16xi32>
      %select_n3A_98 = arith.select %and3A_94, %sub3A_97, %div3A_70 : vector<64x16xi1>, vector<64x16xi32>
      %mul3A = arith.constant 14 : i32
      %mul3A_99 = vector.broadcast %mul3A : i32 to vector<64x16xi32>
      %mul3A_100 = arith.muli %select_n3A_98, %mul3A_99 : vector<64x16xi32>
      %sub3A_101 = arith.subi %reduce_sum3A_38, %mul3A_100 : vector<64x16xi32>
      %swap3A_102 = arith.constant 0 : index
      %swap3A_103 = arith.constant 0 : index
      %swap3A_104 = vector.load %arg3[%swap3A_102, %swap3A_103] : memref<64x16xi32, #tpu.memory_space<vmem>>, vector<64x16xi32>
      tpu.vector_store %arg3[%swap3A_102, %swap3A_103], %sub3A_101 {strides = array<i32>} : memref<64x16xi32, #tpu.memory_space<vmem>>, vector<64x16xi32>,
      %iota3A_105 = tpu.iota {dimensions = array<i32: 0>} : vector<64x16xi32>
      %mul3A_106 = arith.constant 64 : i32
      %mul3A_107 = vector.broadcast %mul3A_106 : i32 to vector<64x16xi32>
      %mul3A_108 = arith.muli %reduce_sum3A_38, %mul3A_107 : vector<64x16xi32>
      %add3A_109 = arith.addi %mul3A_108, %iota3A_105 : vector<64x16xi32>
      %slice3A = vector.extract_strided_slice %add3A_109 {offsets = [0, 0], sizes = [64, 8], strides = [1, 1]} : vector<64x16xi32> to vector<64x8xi32>
      %reshape3A_110 = vector.shape_cast %slice3A : vector<64x8xi32> to vector<4x128xi32>
      %slice3A_111 = vector.extract_strided_slice %add3A_109 {offsets = [0, 8], sizes = [64, 8], strides = [1, 1]} : vector<64x16xi32> to vector<64x8xi32>
      %reshape3A_112 = vector.shape_cast %slice3A_111 : vector<64x8xi32> to vector<4x128xi32>
      %concatenate3A = tpu.concatenate %reshape3A_110, %reshape3A_112 in 0 : vector<4x128xi32>, vector<4x128xi32> -> vector<8x128xi32>
      %swap3A_113 = arith.constant 0 : index
      %swap3A_114 = arith.constant 0 : index
      %swap3A_115 = vector.load %arg4[%swap3A_113, %swap3A_114] : memref<8x128xi32, #tpu.memory_space<vmem>>, vector<8x128xi32>
      tpu.vector_store %arg4[%swap3A_113, %swap3A_114], %concatenate3A {strides = array<i32>} : memref<8x128xi32, #tpu.memory_space<vmem>>, vector<8x128xi32>,
    } else {
    }
    return
  }
  func.func @transform_0(%arg0: i32) -> (i32, i32, i32) {
    %c0_i32 = arith.constant 0 : i32
    %c0_i32_0 = arith.constant 0 : i32
    %c0_i32_1 = arith.constant 0 : i32
    return %arg0, %c0_i32, %c0_i32_0 : i32, i32, i32
  }
  func.func @transform_1(%arg0: i32) -> (i32, i32) {
    %c0_i32 = arith.constant 0 : i32
    %c0_i32_0 = arith.constant 0 : i32
    %c0_i32_1 = arith.constant 0 : i32
    return %c0_i32, %c0_i32_0 : i32, i32
  }
  func.func @transform_2(%arg0: i32) -> (i32, i32) {
    %c0_i32 = arith.constant 0 : i32
    %c0_i32_0 = arith.constant 0 : i32
    %c0_i32_1 = arith.constant 0 : i32
    return %c0_i32, %c0_i32_0 : i32, i32
  }
  func.func @transform_3(%arg0: i32) -> (i32, i32) {
    %c0_i32 = arith.constant 0 : i32
    %c0_i32_0 = arith.constant 0 : i32
    %c0_i32_1 = arith.constant 0 : i32
    return %c0_i32, %c0_i32_0 : i32, i32
  }
}

module attributes {stable_mosaic.version = 14 : i64} {
  func.func @_pass3_body(%arg0: memref<1024x1024xf32, #tpu.memory_space<vmem>>, %arg1: memref<256x1024xf32, #tpu.memory_space<vmem>>, %arg2: memref<256x1024xf32, #tpu.memory_space<vmem>>, %arg3: memref<1x256xf32, #tpu.memory_space<vmem>>, %arg4: memref<1x256xf32, #tpu.memory_space<vmem>>, %arg5: memref<1x256xf32, #tpu.memory_space<vmem>>, %arg6: memref<1x256xf32, #tpu.memory_space<vmem>>, %arg7: memref<64x16xi32, #tpu.memory_space<vmem>>, %arg8: memref<64x16xi32, #tpu.memory_space<vmem>>, %arg9: memref<64x2048xf32, #tpu.memory_space<vmem>>, %arg10: memref<64x2048xf32, #tpu.memory_space<vmem>>) attributes {dimension_semantics = [], scalar_prefetch = 0 : i64, scratch_operands = 0 : i64, tpu.core_type = #tpu.core_type<tc>} {
    %get3A = arith.constant 0 : index
    %get3A_0 = arith.constant 0 : index
    %get3A_1 = vector.load %arg7[%get3A, %get3A_0] : memref<64x16xi32, #tpu.memory_space<vmem>>, vector<64x16xi32>
    %convert_element_type3A = arith.sitofp %get3A_1 : vector<64x16xi32> to vector<64x16xf32>
    %get3A_2 = arith.constant 0 : index
    %get3A_3 = arith.constant 0 : index
    %get3A_4 = vector.load %arg8[%get3A_2, %get3A_3] : memref<64x16xi32, #tpu.memory_space<vmem>>, vector<64x16xi32>
    %convert_element_type3A_5 = arith.sitofp %get3A_4 : vector<64x16xi32> to vector<64x16xf32>
    %get3A_6 = arith.constant 0 : index
    %get3A_7 = arith.constant 0 : index
    %get3A_8 = vector.load %arg0[%get3A_6, %get3A_7] : memref<1024x1024xf32, #tpu.memory_space<vmem>>, vector<512x1024xf32>
    %get3A_9 = arith.constant 0 : index
    %get3A_10 = arith.constant 0 : index
    %get3A_11 = vector.load %arg1[%get3A_9, %get3A_10] : memref<256x1024xf32, #tpu.memory_space<vmem>>, vector<256x1024xf32>
    %dot_general3A = arith.constant dense<0.000000e+00> : vector<512x256xf32>
    %dot_general3A_12 = tpu.matmul %get3A_8, %get3A_11, %dot_general3A {dimension_numbers = #tpu.dot_dimension_numbers<[1], [1], [0], [0], [0, 0, 1, 0], [], []>, transpose_lhs_hint = false} : vector<512x1024xf32>, vector<256x1024xf32>, vector<512x256xf32> -> vector<512x256xf32>
    %reduce_sum3A = arith.constant dense<0.000000e+00> : vector<256xf32>
    %reduce_sum3A_13 = vector.multi_reduction <add>, %dot_general3A_12, %reduce_sum3A [0] : vector<512x256xf32> to vector<256xf32>
    %broadcast_in_dim3A = vector.shape_cast %reduce_sum3A_13 : vector<256xf32> to vector<1x256xf32>
    %div3A = arith.constant 5.120000e+02 : f32
    %div3A_14 = vector.broadcast %div3A : f32 to vector<1x256xf32>
    %div3A_15 = arith.divf %broadcast_in_dim3A, %div3A_14 : vector<1x256xf32>
    %sub3A = vector.broadcast %div3A_15 : vector<1x256xf32> to vector<512x256xf32>
    %sub3A_16 = arith.subf %dot_general3A_12, %sub3A : vector<512x256xf32>
    %integer_pow3A = arith.mulf %sub3A_16, %sub3A_16 : vector<512x256xf32>
    %reduce_sum3A_17 = arith.constant dense<0.000000e+00> : vector<256xf32>
    %reduce_sum3A_18 = vector.multi_reduction <add>, %integer_pow3A, %reduce_sum3A_17 [0] : vector<512x256xf32> to vector<256xf32>
    %broadcast_in_dim3A_19 = vector.shape_cast %reduce_sum3A_18 : vector<256xf32> to vector<1x256xf32>
    %div3A_20 = arith.constant 5.120000e+02 : f32
    %div3A_21 = vector.broadcast %div3A_20 : f32 to vector<1x256xf32>
    %div3A_22 = arith.divf %broadcast_in_dim3A_19, %div3A_21 : vector<1x256xf32>
    %sub3A_23 = vector.broadcast %div3A_15 : vector<1x256xf32> to vector<512x256xf32>
    %sub3A_24 = arith.subf %dot_general3A_12, %sub3A_23 : vector<512x256xf32>
    %add3A = arith.constant 9.99999974E-6 : f32
    %add3A_25 = vector.broadcast %add3A : f32 to vector<1x256xf32>
    %add3A_26 = arith.addf %div3A_22, %add3A_25 : vector<1x256xf32>
    %sqrt3A = math.sqrt %add3A_26 : vector<1x256xf32>
    %div3A_27 = vector.broadcast %sqrt3A : vector<1x256xf32> to vector<512x256xf32>
    %div3A_28 = arith.divf %sub3A_24, %div3A_27 : vector<512x256xf32>
    %get3A_29 = arith.constant 0 : index
    %get3A_30 = arith.constant 0 : index
    %get3A_31 = vector.load %arg3[%get3A_29, %get3A_30] : memref<1x256xf32, #tpu.memory_space<vmem>>, vector<1x256xf32>
    %mul3A = vector.broadcast %get3A_31 : vector<1x256xf32> to vector<512x256xf32>
    %mul3A_32 = arith.mulf %div3A_28, %mul3A : vector<512x256xf32>
    %get3A_33 = arith.constant 0 : index
    %get3A_34 = arith.constant 0 : index
    %get3A_35 = vector.load %arg4[%get3A_33, %get3A_34] : memref<1x256xf32, #tpu.memory_space<vmem>>, vector<1x256xf32>
    %add3A_36 = vector.broadcast %get3A_35 : vector<1x256xf32> to vector<512x256xf32>
    %add3A_37 = arith.addf %mul3A_32, %add3A_36 : vector<512x256xf32>
    %max3A = arith.constant 0.000000e+00 : f32
    %max3A_38 = vector.broadcast %max3A : f32 to vector<512x256xf32>
    %max3A_39 = arith.maximumf %add3A_37, %max3A_38 : vector<512x256xf32>
    %reshape3A = vector.shape_cast %max3A_39 : vector<512x256xf32> to vector<64x8x256xf32>
    %slice3A = vector.extract_strided_slice %convert_element_type3A {offsets = [0, 0], sizes = [64, 8], strides = [1, 1]} : vector<64x16xf32> to vector<64x8xf32>
    %slice3A_40 = vector.extract_strided_slice %convert_element_type3A_5 {offsets = [0, 0], sizes = [64, 8], strides = [1, 1]} : vector<64x16xf32> to vector<64x8xf32>
    %broadcast_in_dim3A_41 = vector.shape_cast %slice3A : vector<64x8xf32> to vector<64x8x1xf32>
    %broadcast_in_dim3A_42 = vector.shape_cast %slice3A : vector<64x8xf32> to vector<64x1x8xf32>
    %sub3A_43 = vector.broadcast %broadcast_in_dim3A_41 : vector<64x8x1xf32> to vector<64x8x8xf32>
    %sub3A_44 = vector.broadcast %broadcast_in_dim3A_42 : vector<64x1x8xf32> to vector<64x8x8xf32>
    %sub3A_45 = arith.subf %sub3A_43, %sub3A_44 : vector<64x8x8xf32>
    %broadcast_in_dim3A_46 = vector.shape_cast %slice3A_40 : vector<64x8xf32> to vector<64x8x1xf32>
    %broadcast_in_dim3A_47 = vector.shape_cast %slice3A_40 : vector<64x8xf32> to vector<64x1x8xf32>
    %sub3A_48 = vector.broadcast %broadcast_in_dim3A_46 : vector<64x8x1xf32> to vector<64x8x8xf32>
    %sub3A_49 = vector.broadcast %broadcast_in_dim3A_47 : vector<64x1x8xf32> to vector<64x8x8xf32>
    %sub3A_50 = arith.subf %sub3A_48, %sub3A_49 : vector<64x8x8xf32>
    %mul3A_51 = arith.mulf %sub3A_45, %sub3A_45 : vector<64x8x8xf32>
    %mul3A_52 = arith.mulf %sub3A_50, %sub3A_50 : vector<64x8x8xf32>
    %add3A_53 = arith.addf %mul3A_51, %mul3A_52 : vector<64x8x8xf32>
    %sqrt3A_54 = math.sqrt %add3A_53 : vector<64x8x8xf32>
    %reduce_max3A = arith.constant dense<0xFF800000> : vector<64xf32>
    %reduce_max3A_55 = vector.multi_reduction <maximumf>, %sqrt3A_54, %reduce_max3A [1, 2] : vector<64x8x8xf32> to vector<64xf32>
    %broadcast_in_dim3A_56 = vector.shape_cast %reduce_max3A_55 : vector<64xf32> to vector<64x1x1xf32>
    %neg3A = arith.constant 0.000000e+00 : f32
    %neg3A_57 = vector.broadcast %neg3A : f32 to vector<64x8x8xf32>
    %neg3A_58 = arith.subf %neg3A_57, %sqrt3A_54 : vector<64x8x8xf32>
    %add3A_59 = arith.constant 9.99999997E-7 : f32
    %add3A_60 = vector.broadcast %add3A_59 : f32 to vector<64x1x1xf32>
    %add3A_61 = arith.addf %broadcast_in_dim3A_56, %add3A_60 : vector<64x1x1xf32>
    %div3A_62 = vector.broadcast %add3A_61 : vector<64x1x1xf32> to vector<64x8x8xf32>
    %div3A_63 = arith.divf %neg3A_58, %div3A_62 : vector<64x8x8xf32>
    %exp3A = math.exp %div3A_63 : vector<64x8x8xf32>
    %iota3A = tpu.iota {dimensions = array<i32: 1>} : vector<64x8x8xi32>
    %iota3A_64 = tpu.iota {dimensions = array<i32: 2>} : vector<64x8x8xi32>
    %eq3A = arith.cmpi eq, %iota3A, %iota3A_64 : vector<64x8x8xi32>
    %convert_element_type3A_65 = arith.extui %eq3A : vector<64x8x8xi1> to vector<64x8x8xi32>
    %convert_element_type3A_66 = arith.sitofp %convert_element_type3A_65 : vector<64x8x8xi32> to vector<64x8x8xf32>
    %add3A_67 = arith.addf %exp3A, %convert_element_type3A_66 : vector<64x8x8xf32>
    %reduce_sum3A_68 = arith.constant dense<0.000000e+00> : vector<64x8xf32>
    %reduce_sum3A_69 = vector.multi_reduction <add>, %add3A_67, %reduce_sum3A_68 [2] : vector<64x8x8xf32> to vector<64x8xf32>
    %add3A_70 = arith.constant 9.99999997E-7 : f32
    %add3A_71 = vector.broadcast %add3A_70 : f32 to vector<64x8xf32>
    %add3A_72 = arith.addf %reduce_sum3A_69, %add3A_71 : vector<64x8xf32>
    %sqrt3A_73 = math.sqrt %add3A_72 : vector<64x8xf32>
    %div3A_74 = arith.constant 1.000000e+00 : f32
    %div3A_75 = vector.broadcast %div3A_74 : f32 to vector<64x8xf32>
    %div3A_76 = arith.divf %div3A_75, %sqrt3A_73 : vector<64x8xf32>
    %broadcast_in_dim3A_77 = vector.shape_cast %div3A_76 : vector<64x8xf32> to vector<64x8x1xf32>
    %mul3A_78 = vector.broadcast %broadcast_in_dim3A_77 : vector<64x8x1xf32> to vector<64x8x8xf32>
    %mul3A_79 = arith.mulf %add3A_67, %mul3A_78 : vector<64x8x8xf32>
    %broadcast_in_dim3A_80 = vector.shape_cast %div3A_76 : vector<64x8xf32> to vector<64x1x8xf32>
    %mul3A_81 = vector.broadcast %broadcast_in_dim3A_80 : vector<64x1x8xf32> to vector<64x8x8xf32>
    %mul3A_82 = arith.mulf %mul3A_79, %mul3A_81 : vector<64x8x8xf32>
    %broadcast_in_dim3A_83 = arith.constant 0.000000e+00 : f32
    %broadcast_in_dim3A_84 = vector.broadcast %broadcast_in_dim3A_83 : f32 to vector<64x8x256xf32>
    %slice3A_85 = vector.extract_strided_slice %mul3A_82 {offsets = [0, 0, 0], sizes = [64, 8, 1], strides = [1, 1, 1]} : vector<64x8x8xf32> to vector<64x8x1xf32>
    %squeeze3A = vector.shape_cast %slice3A_85 : vector<64x8x1xf32> to vector<64x8xf32>
    %broadcast_in_dim3A_86 = vector.shape_cast %squeeze3A : vector<64x8xf32> to vector<64x8x1xf32>
    %slice3A_87 = vector.extract_strided_slice %reshape3A {offsets = [0, 0, 0], sizes = [64, 1, 256], strides = [1, 1, 1]} : vector<64x8x256xf32> to vector<64x1x256xf32>
    %squeeze3A_88 = vector.shape_cast %slice3A_87 : vector<64x1x256xf32> to vector<64x256xf32>
    %broadcast_in_dim3A_89 = vector.shape_cast %squeeze3A_88 : vector<64x256xf32> to vector<64x1x256xf32>
    %mul3A_90 = vector.broadcast %broadcast_in_dim3A_86 : vector<64x8x1xf32> to vector<64x8x256xf32>
    %mul3A_91 = vector.broadcast %broadcast_in_dim3A_89 : vector<64x1x256xf32> to vector<64x8x256xf32>
    %mul3A_92 = arith.mulf %mul3A_90, %mul3A_91 : vector<64x8x256xf32>
    %add3A_93 = arith.addf %broadcast_in_dim3A_84, %mul3A_92 : vector<64x8x256xf32>
    %slice3A_94 = vector.extract_strided_slice %mul3A_82 {offsets = [0, 0, 1], sizes = [64, 8, 1], strides = [1, 1, 1]} : vector<64x8x8xf32> to vector<64x8x1xf32>
    %squeeze3A_95 = vector.shape_cast %slice3A_94 : vector<64x8x1xf32> to vector<64x8xf32>
    %broadcast_in_dim3A_96 = vector.shape_cast %squeeze3A_95 : vector<64x8xf32> to vector<64x8x1xf32>
    %slice3A_97 = vector.extract_strided_slice %reshape3A {offsets = [0, 1, 0], sizes = [64, 1, 256], strides = [1, 1, 1]} : vector<64x8x256xf32> to vector<64x1x256xf32>
    %squeeze3A_98 = vector.shape_cast %slice3A_97 : vector<64x1x256xf32> to vector<64x256xf32>
    %broadcast_in_dim3A_99 = vector.shape_cast %squeeze3A_98 : vector<64x256xf32> to vector<64x1x256xf32>
    %mul3A_100 = vector.broadcast %broadcast_in_dim3A_96 : vector<64x8x1xf32> to vector<64x8x256xf32>
    %mul3A_101 = vector.broadcast %broadcast_in_dim3A_99 : vector<64x1x256xf32> to vector<64x8x256xf32>
    %mul3A_102 = arith.mulf %mul3A_100, %mul3A_101 : vector<64x8x256xf32>
    %add3A_103 = arith.addf %add3A_93, %mul3A_102 : vector<64x8x256xf32>
    %slice3A_104 = vector.extract_strided_slice %mul3A_82 {offsets = [0, 0, 2], sizes = [64, 8, 1], strides = [1, 1, 1]} : vector<64x8x8xf32> to vector<64x8x1xf32>
    %squeeze3A_105 = vector.shape_cast %slice3A_104 : vector<64x8x1xf32> to vector<64x8xf32>
    %broadcast_in_dim3A_106 = vector.shape_cast %squeeze3A_105 : vector<64x8xf32> to vector<64x8x1xf32>
    %slice3A_107 = vector.extract_strided_slice %reshape3A {offsets = [0, 2, 0], sizes = [64, 1, 256], strides = [1, 1, 1]} : vector<64x8x256xf32> to vector<64x1x256xf32>
    %squeeze3A_108 = vector.shape_cast %slice3A_107 : vector<64x1x256xf32> to vector<64x256xf32>
    %broadcast_in_dim3A_109 = vector.shape_cast %squeeze3A_108 : vector<64x256xf32> to vector<64x1x256xf32>
    %mul3A_110 = vector.broadcast %broadcast_in_dim3A_106 : vector<64x8x1xf32> to vector<64x8x256xf32>
    %mul3A_111 = vector.broadcast %broadcast_in_dim3A_109 : vector<64x1x256xf32> to vector<64x8x256xf32>
    %mul3A_112 = arith.mulf %mul3A_110, %mul3A_111 : vector<64x8x256xf32>
    %add3A_113 = arith.addf %add3A_103, %mul3A_112 : vector<64x8x256xf32>
    %slice3A_114 = vector.extract_strided_slice %mul3A_82 {offsets = [0, 0, 3], sizes = [64, 8, 1], strides = [1, 1, 1]} : vector<64x8x8xf32> to vector<64x8x1xf32>
    %squeeze3A_115 = vector.shape_cast %slice3A_114 : vector<64x8x1xf32> to vector<64x8xf32>
    %broadcast_in_dim3A_116 = vector.shape_cast %squeeze3A_115 : vector<64x8xf32> to vector<64x8x1xf32>
    %slice3A_117 = vector.extract_strided_slice %reshape3A {offsets = [0, 3, 0], sizes = [64, 1, 256], strides = [1, 1, 1]} : vector<64x8x256xf32> to vector<64x1x256xf32>
    %squeeze3A_118 = vector.shape_cast %slice3A_117 : vector<64x1x256xf32> to vector<64x256xf32>
    %broadcast_in_dim3A_119 = vector.shape_cast %squeeze3A_118 : vector<64x256xf32> to vector<64x1x256xf32>
    %mul3A_120 = vector.broadcast %broadcast_in_dim3A_116 : vector<64x8x1xf32> to vector<64x8x256xf32>
    %mul3A_121 = vector.broadcast %broadcast_in_dim3A_119 : vector<64x1x256xf32> to vector<64x8x256xf32>
    %mul3A_122 = arith.mulf %mul3A_120, %mul3A_121 : vector<64x8x256xf32>
    %add3A_123 = arith.addf %add3A_113, %mul3A_122 : vector<64x8x256xf32>
    %slice3A_124 = vector.extract_strided_slice %mul3A_82 {offsets = [0, 0, 4], sizes = [64, 8, 1], strides = [1, 1, 1]} : vector<64x8x8xf32> to vector<64x8x1xf32>
    %squeeze3A_125 = vector.shape_cast %slice3A_124 : vector<64x8x1xf32> to vector<64x8xf32>
    %broadcast_in_dim3A_126 = vector.shape_cast %squeeze3A_125 : vector<64x8xf32> to vector<64x8x1xf32>
    %slice3A_127 = vector.extract_strided_slice %reshape3A {offsets = [0, 4, 0], sizes = [64, 1, 256], strides = [1, 1, 1]} : vector<64x8x256xf32> to vector<64x1x256xf32>
    %squeeze3A_128 = vector.shape_cast %slice3A_127 : vector<64x1x256xf32> to vector<64x256xf32>
    %broadcast_in_dim3A_129 = vector.shape_cast %squeeze3A_128 : vector<64x256xf32> to vector<64x1x256xf32>
    %mul3A_130 = vector.broadcast %broadcast_in_dim3A_126 : vector<64x8x1xf32> to vector<64x8x256xf32>
    %mul3A_131 = vector.broadcast %broadcast_in_dim3A_129 : vector<64x1x256xf32> to vector<64x8x256xf32>
    %mul3A_132 = arith.mulf %mul3A_130, %mul3A_131 : vector<64x8x256xf32>
    %add3A_133 = arith.addf %add3A_123, %mul3A_132 : vector<64x8x256xf32>
    %slice3A_134 = vector.extract_strided_slice %mul3A_82 {offsets = [0, 0, 5], sizes = [64, 8, 1], strides = [1, 1, 1]} : vector<64x8x8xf32> to vector<64x8x1xf32>
    %squeeze3A_135 = vector.shape_cast %slice3A_134 : vector<64x8x1xf32> to vector<64x8xf32>
    %broadcast_in_dim3A_136 = vector.shape_cast %squeeze3A_135 : vector<64x8xf32> to vector<64x8x1xf32>
    %slice3A_137 = vector.extract_strided_slice %reshape3A {offsets = [0, 5, 0], sizes = [64, 1, 256], strides = [1, 1, 1]} : vector<64x8x256xf32> to vector<64x1x256xf32>
    %squeeze3A_138 = vector.shape_cast %slice3A_137 : vector<64x1x256xf32> to vector<64x256xf32>
    %broadcast_in_dim3A_139 = vector.shape_cast %squeeze3A_138 : vector<64x256xf32> to vector<64x1x256xf32>
    %mul3A_140 = vector.broadcast %broadcast_in_dim3A_136 : vector<64x8x1xf32> to vector<64x8x256xf32>
    %mul3A_141 = vector.broadcast %broadcast_in_dim3A_139 : vector<64x1x256xf32> to vector<64x8x256xf32>
    %mul3A_142 = arith.mulf %mul3A_140, %mul3A_141 : vector<64x8x256xf32>
    %add3A_143 = arith.addf %add3A_133, %mul3A_142 : vector<64x8x256xf32>
    %slice3A_144 = vector.extract_strided_slice %mul3A_82 {offsets = [0, 0, 6], sizes = [64, 8, 1], strides = [1, 1, 1]} : vector<64x8x8xf32> to vector<64x8x1xf32>
    %squeeze3A_145 = vector.shape_cast %slice3A_144 : vector<64x8x1xf32> to vector<64x8xf32>
    %broadcast_in_dim3A_146 = vector.shape_cast %squeeze3A_145 : vector<64x8xf32> to vector<64x8x1xf32>
    %slice3A_147 = vector.extract_strided_slice %reshape3A {offsets = [0, 6, 0], sizes = [64, 1, 256], strides = [1, 1, 1]} : vector<64x8x256xf32> to vector<64x1x256xf32>
    %squeeze3A_148 = vector.shape_cast %slice3A_147 : vector<64x1x256xf32> to vector<64x256xf32>
    %broadcast_in_dim3A_149 = vector.shape_cast %squeeze3A_148 : vector<64x256xf32> to vector<64x1x256xf32>
    %mul3A_150 = vector.broadcast %broadcast_in_dim3A_146 : vector<64x8x1xf32> to vector<64x8x256xf32>
    %mul3A_151 = vector.broadcast %broadcast_in_dim3A_149 : vector<64x1x256xf32> to vector<64x8x256xf32>
    %mul3A_152 = arith.mulf %mul3A_150, %mul3A_151 : vector<64x8x256xf32>
    %add3A_153 = arith.addf %add3A_143, %mul3A_152 : vector<64x8x256xf32>
    %slice3A_154 = vector.extract_strided_slice %mul3A_82 {offsets = [0, 0, 7], sizes = [64, 8, 1], strides = [1, 1, 1]} : vector<64x8x8xf32> to vector<64x8x1xf32>
    %squeeze3A_155 = vector.shape_cast %slice3A_154 : vector<64x8x1xf32> to vector<64x8xf32>
    %broadcast_in_dim3A_156 = vector.shape_cast %squeeze3A_155 : vector<64x8xf32> to vector<64x8x1xf32>
    %slice3A_157 = vector.extract_strided_slice %reshape3A {offsets = [0, 7, 0], sizes = [64, 1, 256], strides = [1, 1, 1]} : vector<64x8x256xf32> to vector<64x1x256xf32>
    %squeeze3A_158 = vector.shape_cast %slice3A_157 : vector<64x1x256xf32> to vector<64x256xf32>
    %broadcast_in_dim3A_159 = vector.shape_cast %squeeze3A_158 : vector<64x256xf32> to vector<64x1x256xf32>
    %mul3A_160 = vector.broadcast %broadcast_in_dim3A_156 : vector<64x8x1xf32> to vector<64x8x256xf32>
    %mul3A_161 = vector.broadcast %broadcast_in_dim3A_159 : vector<64x1x256xf32> to vector<64x8x256xf32>
    %mul3A_162 = arith.mulf %mul3A_160, %mul3A_161 : vector<64x8x256xf32>
    %add3A_163 = arith.addf %add3A_153, %mul3A_162 : vector<64x8x256xf32>
    %slice3A_164 = vector.extract_strided_slice %add3A_163 {offsets = [0, 0, 0], sizes = [64, 1, 256], strides = [1, 1, 1]} : vector<64x8x256xf32> to vector<64x1x256xf32>
    %squeeze3A_165 = vector.shape_cast %slice3A_164 : vector<64x1x256xf32> to vector<64x256xf32>
    %swap3A = arith.constant 0 : index
    %swap3A_166 = arith.constant 0 : index
    %swap3A_167 = vector.load %arg9[%swap3A, %swap3A_166] : memref<64x2048xf32, #tpu.memory_space<vmem>>, vector<64x256xf32>
    tpu.vector_store %arg9[%swap3A, %swap3A_166], %squeeze3A_165 {strides = array<i32>} : memref<64x2048xf32, #tpu.memory_space<vmem>>, vector<64x256xf32>,
    %slice3A_168 = vector.extract_strided_slice %add3A_163 {offsets = [0, 1, 0], sizes = [64, 1, 256], strides = [1, 1, 1]} : vector<64x8x256xf32> to vector<64x1x256xf32>
    %squeeze3A_169 = vector.shape_cast %slice3A_168 : vector<64x1x256xf32> to vector<64x256xf32>
    %swap3A_170 = arith.constant 0 : index
    %swap3A_171 = arith.constant 256 : index
    %swap3A_172 = vector.load %arg9[%swap3A_170, %swap3A_171] : memref<64x2048xf32, #tpu.memory_space<vmem>>, vector<64x256xf32>
    tpu.vector_store %arg9[%swap3A_170, %swap3A_171], %squeeze3A_169 {strides = array<i32>} : memref<64x2048xf32, #tpu.memory_space<vmem>>, vector<64x256xf32>,
    %slice3A_173 = vector.extract_strided_slice %add3A_163 {offsets = [0, 2, 0], sizes = [64, 1, 256], strides = [1, 1, 1]} : vector<64x8x256xf32> to vector<64x1x256xf32>
    %squeeze3A_174 = vector.shape_cast %slice3A_173 : vector<64x1x256xf32> to vector<64x256xf32>
    %swap3A_175 = arith.constant 0 : index
    %swap3A_176 = arith.constant 512 : index
    %swap3A_177 = vector.load %arg9[%swap3A_175, %swap3A_176] : memref<64x2048xf32, #tpu.memory_space<vmem>>, vector<64x256xf32>
    tpu.vector_store %arg9[%swap3A_175, %swap3A_176], %squeeze3A_174 {strides = array<i32>} : memref<64x2048xf32, #tpu.memory_space<vmem>>, vector<64x256xf32>,
    %slice3A_178 = vector.extract_strided_slice %add3A_163 {offsets = [0, 3, 0], sizes = [64, 1, 256], strides = [1, 1, 1]} : vector<64x8x256xf32> to vector<64x1x256xf32>
    %squeeze3A_179 = vector.shape_cast %slice3A_178 : vector<64x1x256xf32> to vector<64x256xf32>
    %swap3A_180 = arith.constant 0 : index
    %swap3A_181 = arith.constant 768 : index
    %swap3A_182 = vector.load %arg9[%swap3A_180, %swap3A_181] : memref<64x2048xf32, #tpu.memory_space<vmem>>, vector<64x256xf32>
    tpu.vector_store %arg9[%swap3A_180, %swap3A_181], %squeeze3A_179 {strides = array<i32>} : memref<64x2048xf32, #tpu.memory_space<vmem>>, vector<64x256xf32>,
    %slice3A_183 = vector.extract_strided_slice %add3A_163 {offsets = [0, 4, 0], sizes = [64, 1, 256], strides = [1, 1, 1]} : vector<64x8x256xf32> to vector<64x1x256xf32>
    %squeeze3A_184 = vector.shape_cast %slice3A_183 : vector<64x1x256xf32> to vector<64x256xf32>
    %swap3A_185 = arith.constant 0 : index
    %swap3A_186 = arith.constant 1024 : index
    %swap3A_187 = vector.load %arg9[%swap3A_185, %swap3A_186] : memref<64x2048xf32, #tpu.memory_space<vmem>>, vector<64x256xf32>
    tpu.vector_store %arg9[%swap3A_185, %swap3A_186], %squeeze3A_184 {strides = array<i32>} : memref<64x2048xf32, #tpu.memory_space<vmem>>, vector<64x256xf32>,
    %slice3A_188 = vector.extract_strided_slice %add3A_163 {offsets = [0, 5, 0], sizes = [64, 1, 256], strides = [1, 1, 1]} : vector<64x8x256xf32> to vector<64x1x256xf32>
    %squeeze3A_189 = vector.shape_cast %slice3A_188 : vector<64x1x256xf32> to vector<64x256xf32>
    %swap3A_190 = arith.constant 0 : index
    %swap3A_191 = arith.constant 1280 : index
    %swap3A_192 = vector.load %arg9[%swap3A_190, %swap3A_191] : memref<64x2048xf32, #tpu.memory_space<vmem>>, vector<64x256xf32>
    tpu.vector_store %arg9[%swap3A_190, %swap3A_191], %squeeze3A_189 {strides = array<i32>} : memref<64x2048xf32, #tpu.memory_space<vmem>>, vector<64x256xf32>,
    %slice3A_193 = vector.extract_strided_slice %add3A_163 {offsets = [0, 6, 0], sizes = [64, 1, 256], strides = [1, 1, 1]} : vector<64x8x256xf32> to vector<64x1x256xf32>
    %squeeze3A_194 = vector.shape_cast %slice3A_193 : vector<64x1x256xf32> to vector<64x256xf32>
    %swap3A_195 = arith.constant 0 : index
    %swap3A_196 = arith.constant 1536 : index
    %swap3A_197 = vector.load %arg9[%swap3A_195, %swap3A_196] : memref<64x2048xf32, #tpu.memory_space<vmem>>, vector<64x256xf32>
    tpu.vector_store %arg9[%swap3A_195, %swap3A_196], %squeeze3A_194 {strides = array<i32>} : memref<64x2048xf32, #tpu.memory_space<vmem>>, vector<64x256xf32>,
    %slice3A_198 = vector.extract_strided_slice %add3A_163 {offsets = [0, 7, 0], sizes = [64, 1, 256], strides = [1, 1, 1]} : vector<64x8x256xf32> to vector<64x1x256xf32>
    %squeeze3A_199 = vector.shape_cast %slice3A_198 : vector<64x1x256xf32> to vector<64x256xf32>
    %swap3A_200 = arith.constant 0 : index
    %swap3A_201 = arith.constant 1792 : index
    %swap3A_202 = vector.load %arg9[%swap3A_200, %swap3A_201] : memref<64x2048xf32, #tpu.memory_space<vmem>>, vector<64x256xf32>
    tpu.vector_store %arg9[%swap3A_200, %swap3A_201], %squeeze3A_199 {strides = array<i32>} : memref<64x2048xf32, #tpu.memory_space<vmem>>, vector<64x256xf32>,
    %get3A_203 = arith.constant 512 : index
    %get3A_204 = arith.constant 0 : index
    %get3A_205 = vector.load %arg0[%get3A_203, %get3A_204] : memref<1024x1024xf32, #tpu.memory_space<vmem>>, vector<512x1024xf32>
    %get3A_206 = arith.constant 0 : index
    %get3A_207 = arith.constant 0 : index
    %get3A_208 = vector.load %arg2[%get3A_206, %get3A_207] : memref<256x1024xf32, #tpu.memory_space<vmem>>, vector<256x1024xf32>
    %dot_general3A_209 = arith.constant dense<0.000000e+00> : vector<512x256xf32>
    %dot_general3A_210 = tpu.matmul %get3A_205, %get3A_208, %dot_general3A_209 {dimension_numbers = #tpu.dot_dimension_numbers<[1], [1], [0], [0], [0, 0, 1, 0], [], []>, transpose_lhs_hint = false} : vector<512x1024xf32>, vector<256x1024xf32>, vector<512x256xf32> -> vector<512x256xf32>
    %reduce_sum3A_211 = arith.constant dense<0.000000e+00> : vector<256xf32>
    %reduce_sum3A_212 = vector.multi_reduction <add>, %dot_general3A_210, %reduce_sum3A_211 [0] : vector<512x256xf32> to vector<256xf32>
    %broadcast_in_dim3A_213 = vector.shape_cast %reduce_sum3A_212 : vector<256xf32> to vector<1x256xf32>
    %div3A_214 = arith.constant 5.120000e+02 : f32
    %div3A_215 = vector.broadcast %div3A_214 : f32 to vector<1x256xf32>
    %div3A_216 = arith.divf %broadcast_in_dim3A_213, %div3A_215 : vector<1x256xf32>
    %sub3A_217 = vector.broadcast %div3A_216 : vector<1x256xf32> to vector<512x256xf32>
    %sub3A_218 = arith.subf %dot_general3A_210, %sub3A_217 : vector<512x256xf32>
    %integer_pow3A_219 = arith.mulf %sub3A_218, %sub3A_218 : vector<512x256xf32>
    %reduce_sum3A_220 = arith.constant dense<0.000000e+00> : vector<256xf32>
    %reduce_sum3A_221 = vector.multi_reduction <add>, %integer_pow3A_219, %reduce_sum3A_220 [0] : vector<512x256xf32> to vector<256xf32>
    %broadcast_in_dim3A_222 = vector.shape_cast %reduce_sum3A_221 : vector<256xf32> to vector<1x256xf32>
    %div3A_223 = arith.constant 5.120000e+02 : f32
    %div3A_224 = vector.broadcast %div3A_223 : f32 to vector<1x256xf32>
    %div3A_225 = arith.divf %broadcast_in_dim3A_222, %div3A_224 : vector<1x256xf32>
    %sub3A_226 = vector.broadcast %div3A_216 : vector<1x256xf32> to vector<512x256xf32>
    %sub3A_227 = arith.subf %dot_general3A_210, %sub3A_226 : vector<512x256xf32>
    %add3A_228 = arith.constant 9.99999974E-6 : f32
    %add3A_229 = vector.broadcast %add3A_228 : f32 to vector<1x256xf32>
    %add3A_230 = arith.addf %div3A_225, %add3A_229 : vector<1x256xf32>
    %sqrt3A_231 = math.sqrt %add3A_230 : vector<1x256xf32>
    %div3A_232 = vector.broadcast %sqrt3A_231 : vector<1x256xf32> to vector<512x256xf32>
    %div3A_233 = arith.divf %sub3A_227, %div3A_232 : vector<512x256xf32>
    %get3A_234 = arith.constant 0 : index
    %get3A_235 = arith.constant 0 : index
    %get3A_236 = vector.load %arg5[%get3A_234, %get3A_235] : memref<1x256xf32, #tpu.memory_space<vmem>>, vector<1x256xf32>
    %mul3A_237 = vector.broadcast %get3A_236 : vector<1x256xf32> to vector<512x256xf32>
    %mul3A_238 = arith.mulf %div3A_233, %mul3A_237 : vector<512x256xf32>
    %get3A_239 = arith.constant 0 : index
    %get3A_240 = arith.constant 0 : index
    %get3A_241 = vector.load %arg6[%get3A_239, %get3A_240] : memref<1x256xf32, #tpu.memory_space<vmem>>, vector<1x256xf32>
    %add3A_242 = vector.broadcast %get3A_241 : vector<1x256xf32> to vector<512x256xf32>
    %add3A_243 = arith.addf %mul3A_238, %add3A_242 : vector<512x256xf32>
    %max3A_244 = arith.constant 0.000000e+00 : f32
    %max3A_245 = vector.broadcast %max3A_244 : f32 to vector<512x256xf32>
    %max3A_246 = arith.maximumf %add3A_243, %max3A_245 : vector<512x256xf32>
    %reshape3A_247 = vector.shape_cast %max3A_246 : vector<512x256xf32> to vector<64x8x256xf32>
    %slice3A_248 = vector.extract_strided_slice %convert_element_type3A {offsets = [0, 8], sizes = [64, 8], strides = [1, 1]} : vector<64x16xf32> to vector<64x8xf32>
    %slice3A_249 = vector.extract_strided_slice %convert_element_type3A_5 {offsets = [0, 8], sizes = [64, 8], strides = [1, 1]} : vector<64x16xf32> to vector<64x8xf32>
    %broadcast_in_dim3A_250 = vector.shape_cast %slice3A_248 : vector<64x8xf32> to vector<64x8x1xf32>
    %broadcast_in_dim3A_251 = vector.shape_cast %slice3A_248 : vector<64x8xf32> to vector<64x1x8xf32>
    %sub3A_252 = vector.broadcast %broadcast_in_dim3A_250 : vector<64x8x1xf32> to vector<64x8x8xf32>
    %sub3A_253 = vector.broadcast %broadcast_in_dim3A_251 : vector<64x1x8xf32> to vector<64x8x8xf32>
    %sub3A_254 = arith.subf %sub3A_252, %sub3A_253 : vector<64x8x8xf32>
    %broadcast_in_dim3A_255 = vector.shape_cast %slice3A_249 : vector<64x8xf32> to vector<64x8x1xf32>
    %broadcast_in_dim3A_256 = vector.shape_cast %slice3A_249 : vector<64x8xf32> to vector<64x1x8xf32>
    %sub3A_257 = vector.broadcast %broadcast_in_dim3A_255 : vector<64x8x1xf32> to vector<64x8x8xf32>
    %sub3A_258 = vector.broadcast %broadcast_in_dim3A_256 : vector<64x1x8xf32> to vector<64x8x8xf32>
    %sub3A_259 = arith.subf %sub3A_257, %sub3A_258 : vector<64x8x8xf32>
    %mul3A_260 = arith.mulf %sub3A_254, %sub3A_254 : vector<64x8x8xf32>
    %mul3A_261 = arith.mulf %sub3A_259, %sub3A_259 : vector<64x8x8xf32>
    %add3A_262 = arith.addf %mul3A_260, %mul3A_261 : vector<64x8x8xf32>
    %sqrt3A_263 = math.sqrt %add3A_262 : vector<64x8x8xf32>
    %reduce_max3A_264 = arith.constant dense<0xFF800000> : vector<64xf32>
    %reduce_max3A_265 = vector.multi_reduction <maximumf>, %sqrt3A_263, %reduce_max3A_264 [1, 2] : vector<64x8x8xf32> to vector<64xf32>
    %broadcast_in_dim3A_266 = vector.shape_cast %reduce_max3A_265 : vector<64xf32> to vector<64x1x1xf32>
    %neg3A_267 = arith.constant 0.000000e+00 : f32
    %neg3A_268 = vector.broadcast %neg3A_267 : f32 to vector<64x8x8xf32>
    %neg3A_269 = arith.subf %neg3A_268, %sqrt3A_263 : vector<64x8x8xf32>
    %add3A_270 = arith.constant 9.99999997E-7 : f32
    %add3A_271 = vector.broadcast %add3A_270 : f32 to vector<64x1x1xf32>
    %add3A_272 = arith.addf %broadcast_in_dim3A_266, %add3A_271 : vector<64x1x1xf32>
    %div3A_273 = vector.broadcast %add3A_272 : vector<64x1x1xf32> to vector<64x8x8xf32>
    %div3A_274 = arith.divf %neg3A_269, %div3A_273 : vector<64x8x8xf32>
    %exp3A_275 = math.exp %div3A_274 : vector<64x8x8xf32>
    %iota3A_276 = tpu.iota {dimensions = array<i32: 1>} : vector<64x8x8xi32>
    %iota3A_277 = tpu.iota {dimensions = array<i32: 2>} : vector<64x8x8xi32>
    %eq3A_278 = arith.cmpi eq, %iota3A_276, %iota3A_277 : vector<64x8x8xi32>
    %convert_element_type3A_279 = arith.extui %eq3A_278 : vector<64x8x8xi1> to vector<64x8x8xi32>
    %convert_element_type3A_280 = arith.sitofp %convert_element_type3A_279 : vector<64x8x8xi32> to vector<64x8x8xf32>
    %add3A_281 = arith.addf %exp3A_275, %convert_element_type3A_280 : vector<64x8x8xf32>
    %reduce_sum3A_282 = arith.constant dense<0.000000e+00> : vector<64x8xf32>
    %reduce_sum3A_283 = vector.multi_reduction <add>, %add3A_281, %reduce_sum3A_282 [2] : vector<64x8x8xf32> to vector<64x8xf32>
    %add3A_284 = arith.constant 9.99999997E-7 : f32
    %add3A_285 = vector.broadcast %add3A_284 : f32 to vector<64x8xf32>
    %add3A_286 = arith.addf %reduce_sum3A_283, %add3A_285 : vector<64x8xf32>
    %sqrt3A_287 = math.sqrt %add3A_286 : vector<64x8xf32>
    %div3A_288 = arith.constant 1.000000e+00 : f32
    %div3A_289 = vector.broadcast %div3A_288 : f32 to vector<64x8xf32>
    %div3A_290 = arith.divf %div3A_289, %sqrt3A_287 : vector<64x8xf32>
    %broadcast_in_dim3A_291 = vector.shape_cast %div3A_290 : vector<64x8xf32> to vector<64x8x1xf32>
    %mul3A_292 = vector.broadcast %broadcast_in_dim3A_291 : vector<64x8x1xf32> to vector<64x8x8xf32>
    %mul3A_293 = arith.mulf %add3A_281, %mul3A_292 : vector<64x8x8xf32>
    %broadcast_in_dim3A_294 = vector.shape_cast %div3A_290 : vector<64x8xf32> to vector<64x1x8xf32>
    %mul3A_295 = vector.broadcast %broadcast_in_dim3A_294 : vector<64x1x8xf32> to vector<64x8x8xf32>
    %mul3A_296 = arith.mulf %mul3A_293, %mul3A_295 : vector<64x8x8xf32>
    %broadcast_in_dim3A_297 = arith.constant 0.000000e+00 : f32
    %broadcast_in_dim3A_298 = vector.broadcast %broadcast_in_dim3A_297 : f32 to vector<64x8x256xf32>
    %slice3A_299 = vector.extract_strided_slice %mul3A_296 {offsets = [0, 0, 0], sizes = [64, 8, 1], strides = [1, 1, 1]} : vector<64x8x8xf32> to vector<64x8x1xf32>
    %squeeze3A_300 = vector.shape_cast %slice3A_299 : vector<64x8x1xf32> to vector<64x8xf32>
    %broadcast_in_dim3A_301 = vector.shape_cast %squeeze3A_300 : vector<64x8xf32> to vector<64x8x1xf32>
    %slice3A_302 = vector.extract_strided_slice %reshape3A_247 {offsets = [0, 0, 0], sizes = [64, 1, 256], strides = [1, 1, 1]} : vector<64x8x256xf32> to vector<64x1x256xf32>
    %squeeze3A_303 = vector.shape_cast %slice3A_302 : vector<64x1x256xf32> to vector<64x256xf32>
    %broadcast_in_dim3A_304 = vector.shape_cast %squeeze3A_303 : vector<64x256xf32> to vector<64x1x256xf32>
    %mul3A_305 = vector.broadcast %broadcast_in_dim3A_301 : vector<64x8x1xf32> to vector<64x8x256xf32>
    %mul3A_306 = vector.broadcast %broadcast_in_dim3A_304 : vector<64x1x256xf32> to vector<64x8x256xf32>
    %mul3A_307 = arith.mulf %mul3A_305, %mul3A_306 : vector<64x8x256xf32>
    %add3A_308 = arith.addf %broadcast_in_dim3A_298, %mul3A_307 : vector<64x8x256xf32>
    %slice3A_309 = vector.extract_strided_slice %mul3A_296 {offsets = [0, 0, 1], sizes = [64, 8, 1], strides = [1, 1, 1]} : vector<64x8x8xf32> to vector<64x8x1xf32>
    %squeeze3A_310 = vector.shape_cast %slice3A_309 : vector<64x8x1xf32> to vector<64x8xf32>
    %broadcast_in_dim3A_311 = vector.shape_cast %squeeze3A_310 : vector<64x8xf32> to vector<64x8x1xf32>
    %slice3A_312 = vector.extract_strided_slice %reshape3A_247 {offsets = [0, 1, 0], sizes = [64, 1, 256], strides = [1, 1, 1]} : vector<64x8x256xf32> to vector<64x1x256xf32>
    %squeeze3A_313 = vector.shape_cast %slice3A_312 : vector<64x1x256xf32> to vector<64x256xf32>
    %broadcast_in_dim3A_314 = vector.shape_cast %squeeze3A_313 : vector<64x256xf32> to vector<64x1x256xf32>
    %mul3A_315 = vector.broadcast %broadcast_in_dim3A_311 : vector<64x8x1xf32> to vector<64x8x256xf32>
    %mul3A_316 = vector.broadcast %broadcast_in_dim3A_314 : vector<64x1x256xf32> to vector<64x8x256xf32>
    %mul3A_317 = arith.mulf %mul3A_315, %mul3A_316 : vector<64x8x256xf32>
    %add3A_318 = arith.addf %add3A_308, %mul3A_317 : vector<64x8x256xf32>
    %slice3A_319 = vector.extract_strided_slice %mul3A_296 {offsets = [0, 0, 2], sizes = [64, 8, 1], strides = [1, 1, 1]} : vector<64x8x8xf32> to vector<64x8x1xf32>
    %squeeze3A_320 = vector.shape_cast %slice3A_319 : vector<64x8x1xf32> to vector<64x8xf32>
    %broadcast_in_dim3A_321 = vector.shape_cast %squeeze3A_320 : vector<64x8xf32> to vector<64x8x1xf32>
    %slice3A_322 = vector.extract_strided_slice %reshape3A_247 {offsets = [0, 2, 0], sizes = [64, 1, 256], strides = [1, 1, 1]} : vector<64x8x256xf32> to vector<64x1x256xf32>
    %squeeze3A_323 = vector.shape_cast %slice3A_322 : vector<64x1x256xf32> to vector<64x256xf32>
    %broadcast_in_dim3A_324 = vector.shape_cast %squeeze3A_323 : vector<64x256xf32> to vector<64x1x256xf32>
    %mul3A_325 = vector.broadcast %broadcast_in_dim3A_321 : vector<64x8x1xf32> to vector<64x8x256xf32>
    %mul3A_326 = vector.broadcast %broadcast_in_dim3A_324 : vector<64x1x256xf32> to vector<64x8x256xf32>
    %mul3A_327 = arith.mulf %mul3A_325, %mul3A_326 : vector<64x8x256xf32>
    %add3A_328 = arith.addf %add3A_318, %mul3A_327 : vector<64x8x256xf32>
    %slice3A_329 = vector.extract_strided_slice %mul3A_296 {offsets = [0, 0, 3], sizes = [64, 8, 1], strides = [1, 1, 1]} : vector<64x8x8xf32> to vector<64x8x1xf32>
    %squeeze3A_330 = vector.shape_cast %slice3A_329 : vector<64x8x1xf32> to vector<64x8xf32>
    %broadcast_in_dim3A_331 = vector.shape_cast %squeeze3A_330 : vector<64x8xf32> to vector<64x8x1xf32>
    %slice3A_332 = vector.extract_strided_slice %reshape3A_247 {offsets = [0, 3, 0], sizes = [64, 1, 256], strides = [1, 1, 1]} : vector<64x8x256xf32> to vector<64x1x256xf32>
    %squeeze3A_333 = vector.shape_cast %slice3A_332 : vector<64x1x256xf32> to vector<64x256xf32>
    %broadcast_in_dim3A_334 = vector.shape_cast %squeeze3A_333 : vector<64x256xf32> to vector<64x1x256xf32>
    %mul3A_335 = vector.broadcast %broadcast_in_dim3A_331 : vector<64x8x1xf32> to vector<64x8x256xf32>
    %mul3A_336 = vector.broadcast %broadcast_in_dim3A_334 : vector<64x1x256xf32> to vector<64x8x256xf32>
    %mul3A_337 = arith.mulf %mul3A_335, %mul3A_336 : vector<64x8x256xf32>
    %add3A_338 = arith.addf %add3A_328, %mul3A_337 : vector<64x8x256xf32>
    %slice3A_339 = vector.extract_strided_slice %mul3A_296 {offsets = [0, 0, 4], sizes = [64, 8, 1], strides = [1, 1, 1]} : vector<64x8x8xf32> to vector<64x8x1xf32>
    %squeeze3A_340 = vector.shape_cast %slice3A_339 : vector<64x8x1xf32> to vector<64x8xf32>
    %broadcast_in_dim3A_341 = vector.shape_cast %squeeze3A_340 : vector<64x8xf32> to vector<64x8x1xf32>
    %slice3A_342 = vector.extract_strided_slice %reshape3A_247 {offsets = [0, 4, 0], sizes = [64, 1, 256], strides = [1, 1, 1]} : vector<64x8x256xf32> to vector<64x1x256xf32>
    %squeeze3A_343 = vector.shape_cast %slice3A_342 : vector<64x1x256xf32> to vector<64x256xf32>
    %broadcast_in_dim3A_344 = vector.shape_cast %squeeze3A_343 : vector<64x256xf32> to vector<64x1x256xf32>
    %mul3A_345 = vector.broadcast %broadcast_in_dim3A_341 : vector<64x8x1xf32> to vector<64x8x256xf32>
    %mul3A_346 = vector.broadcast %broadcast_in_dim3A_344 : vector<64x1x256xf32> to vector<64x8x256xf32>
    %mul3A_347 = arith.mulf %mul3A_345, %mul3A_346 : vector<64x8x256xf32>
    %add3A_348 = arith.addf %add3A_338, %mul3A_347 : vector<64x8x256xf32>
    %slice3A_349 = vector.extract_strided_slice %mul3A_296 {offsets = [0, 0, 5], sizes = [64, 8, 1], strides = [1, 1, 1]} : vector<64x8x8xf32> to vector<64x8x1xf32>
    %squeeze3A_350 = vector.shape_cast %slice3A_349 : vector<64x8x1xf32> to vector<64x8xf32>
    %broadcast_in_dim3A_351 = vector.shape_cast %squeeze3A_350 : vector<64x8xf32> to vector<64x8x1xf32>
    %slice3A_352 = vector.extract_strided_slice %reshape3A_247 {offsets = [0, 5, 0], sizes = [64, 1, 256], strides = [1, 1, 1]} : vector<64x8x256xf32> to vector<64x1x256xf32>
    %squeeze3A_353 = vector.shape_cast %slice3A_352 : vector<64x1x256xf32> to vector<64x256xf32>
    %broadcast_in_dim3A_354 = vector.shape_cast %squeeze3A_353 : vector<64x256xf32> to vector<64x1x256xf32>
    %mul3A_355 = vector.broadcast %broadcast_in_dim3A_351 : vector<64x8x1xf32> to vector<64x8x256xf32>
    %mul3A_356 = vector.broadcast %broadcast_in_dim3A_354 : vector<64x1x256xf32> to vector<64x8x256xf32>
    %mul3A_357 = arith.mulf %mul3A_355, %mul3A_356 : vector<64x8x256xf32>
    %add3A_358 = arith.addf %add3A_348, %mul3A_357 : vector<64x8x256xf32>
    %slice3A_359 = vector.extract_strided_slice %mul3A_296 {offsets = [0, 0, 6], sizes = [64, 8, 1], strides = [1, 1, 1]} : vector<64x8x8xf32> to vector<64x8x1xf32>
    %squeeze3A_360 = vector.shape_cast %slice3A_359 : vector<64x8x1xf32> to vector<64x8xf32>
    %broadcast_in_dim3A_361 = vector.shape_cast %squeeze3A_360 : vector<64x8xf32> to vector<64x8x1xf32>
    %slice3A_362 = vector.extract_strided_slice %reshape3A_247 {offsets = [0, 6, 0], sizes = [64, 1, 256], strides = [1, 1, 1]} : vector<64x8x256xf32> to vector<64x1x256xf32>
    %squeeze3A_363 = vector.shape_cast %slice3A_362 : vector<64x1x256xf32> to vector<64x256xf32>
    %broadcast_in_dim3A_364 = vector.shape_cast %squeeze3A_363 : vector<64x256xf32> to vector<64x1x256xf32>
    %mul3A_365 = vector.broadcast %broadcast_in_dim3A_361 : vector<64x8x1xf32> to vector<64x8x256xf32>
    %mul3A_366 = vector.broadcast %broadcast_in_dim3A_364 : vector<64x1x256xf32> to vector<64x8x256xf32>
    %mul3A_367 = arith.mulf %mul3A_365, %mul3A_366 : vector<64x8x256xf32>
    %add3A_368 = arith.addf %add3A_358, %mul3A_367 : vector<64x8x256xf32>
    %slice3A_369 = vector.extract_strided_slice %mul3A_296 {offsets = [0, 0, 7], sizes = [64, 8, 1], strides = [1, 1, 1]} : vector<64x8x8xf32> to vector<64x8x1xf32>
    %squeeze3A_370 = vector.shape_cast %slice3A_369 : vector<64x8x1xf32> to vector<64x8xf32>
    %broadcast_in_dim3A_371 = vector.shape_cast %squeeze3A_370 : vector<64x8xf32> to vector<64x8x1xf32>
    %slice3A_372 = vector.extract_strided_slice %reshape3A_247 {offsets = [0, 7, 0], sizes = [64, 1, 256], strides = [1, 1, 1]} : vector<64x8x256xf32> to vector<64x1x256xf32>
    %squeeze3A_373 = vector.shape_cast %slice3A_372 : vector<64x1x256xf32> to vector<64x256xf32>
    %broadcast_in_dim3A_374 = vector.shape_cast %squeeze3A_373 : vector<64x256xf32> to vector<64x1x256xf32>
    %mul3A_375 = vector.broadcast %broadcast_in_dim3A_371 : vector<64x8x1xf32> to vector<64x8x256xf32>
    %mul3A_376 = vector.broadcast %broadcast_in_dim3A_374 : vector<64x1x256xf32> to vector<64x8x256xf32>
    %mul3A_377 = arith.mulf %mul3A_375, %mul3A_376 : vector<64x8x256xf32>
    %add3A_378 = arith.addf %add3A_368, %mul3A_377 : vector<64x8x256xf32>
    %slice3A_379 = vector.extract_strided_slice %add3A_378 {offsets = [0, 0, 0], sizes = [64, 1, 256], strides = [1, 1, 1]} : vector<64x8x256xf32> to vector<64x1x256xf32>
    %squeeze3A_380 = vector.shape_cast %slice3A_379 : vector<64x1x256xf32> to vector<64x256xf32>
    %swap3A_381 = arith.constant 0 : index
    %swap3A_382 = arith.constant 0 : index
    %swap3A_383 = vector.load %arg10[%swap3A_381, %swap3A_382] : memref<64x2048xf32, #tpu.memory_space<vmem>>, vector<64x256xf32>
    tpu.vector_store %arg10[%swap3A_381, %swap3A_382], %squeeze3A_380 {strides = array<i32>} : memref<64x2048xf32, #tpu.memory_space<vmem>>, vector<64x256xf32>,
    %slice3A_384 = vector.extract_strided_slice %add3A_378 {offsets = [0, 1, 0], sizes = [64, 1, 256], strides = [1, 1, 1]} : vector<64x8x256xf32> to vector<64x1x256xf32>
    %squeeze3A_385 = vector.shape_cast %slice3A_384 : vector<64x1x256xf32> to vector<64x256xf32>
    %swap3A_386 = arith.constant 0 : index
    %swap3A_387 = arith.constant 256 : index
    %swap3A_388 = vector.load %arg10[%swap3A_386, %swap3A_387] : memref<64x2048xf32, #tpu.memory_space<vmem>>, vector<64x256xf32>
    tpu.vector_store %arg10[%swap3A_386, %swap3A_387], %squeeze3A_385 {strides = array<i32>} : memref<64x2048xf32, #tpu.memory_space<vmem>>, vector<64x256xf32>,
    %slice3A_389 = vector.extract_strided_slice %add3A_378 {offsets = [0, 2, 0], sizes = [64, 1, 256], strides = [1, 1, 1]} : vector<64x8x256xf32> to vector<64x1x256xf32>
    %squeeze3A_390 = vector.shape_cast %slice3A_389 : vector<64x1x256xf32> to vector<64x256xf32>
    %swap3A_391 = arith.constant 0 : index
    %swap3A_392 = arith.constant 512 : index
    %swap3A_393 = vector.load %arg10[%swap3A_391, %swap3A_392] : memref<64x2048xf32, #tpu.memory_space<vmem>>, vector<64x256xf32>
    tpu.vector_store %arg10[%swap3A_391, %swap3A_392], %squeeze3A_390 {strides = array<i32>} : memref<64x2048xf32, #tpu.memory_space<vmem>>, vector<64x256xf32>,
    %slice3A_394 = vector.extract_strided_slice %add3A_378 {offsets = [0, 3, 0], sizes = [64, 1, 256], strides = [1, 1, 1]} : vector<64x8x256xf32> to vector<64x1x256xf32>
    %squeeze3A_395 = vector.shape_cast %slice3A_394 : vector<64x1x256xf32> to vector<64x256xf32>
    %swap3A_396 = arith.constant 0 : index
    %swap3A_397 = arith.constant 768 : index
    %swap3A_398 = vector.load %arg10[%swap3A_396, %swap3A_397] : memref<64x2048xf32, #tpu.memory_space<vmem>>, vector<64x256xf32>
    tpu.vector_store %arg10[%swap3A_396, %swap3A_397], %squeeze3A_395 {strides = array<i32>} : memref<64x2048xf32, #tpu.memory_space<vmem>>, vector<64x256xf32>,
    %slice3A_399 = vector.extract_strided_slice %add3A_378 {offsets = [0, 4, 0], sizes = [64, 1, 256], strides = [1, 1, 1]} : vector<64x8x256xf32> to vector<64x1x256xf32>
    %squeeze3A_400 = vector.shape_cast %slice3A_399 : vector<64x1x256xf32> to vector<64x256xf32>
    %swap3A_401 = arith.constant 0 : index
    %swap3A_402 = arith.constant 1024 : index
    %swap3A_403 = vector.load %arg10[%swap3A_401, %swap3A_402] : memref<64x2048xf32, #tpu.memory_space<vmem>>, vector<64x256xf32>
    tpu.vector_store %arg10[%swap3A_401, %swap3A_402], %squeeze3A_400 {strides = array<i32>} : memref<64x2048xf32, #tpu.memory_space<vmem>>, vector<64x256xf32>,
    %slice3A_404 = vector.extract_strided_slice %add3A_378 {offsets = [0, 5, 0], sizes = [64, 1, 256], strides = [1, 1, 1]} : vector<64x8x256xf32> to vector<64x1x256xf32>
    %squeeze3A_405 = vector.shape_cast %slice3A_404 : vector<64x1x256xf32> to vector<64x256xf32>
    %swap3A_406 = arith.constant 0 : index
    %swap3A_407 = arith.constant 1280 : index
    %swap3A_408 = vector.load %arg10[%swap3A_406, %swap3A_407] : memref<64x2048xf32, #tpu.memory_space<vmem>>, vector<64x256xf32>
    tpu.vector_store %arg10[%swap3A_406, %swap3A_407], %squeeze3A_405 {strides = array<i32>} : memref<64x2048xf32, #tpu.memory_space<vmem>>, vector<64x256xf32>,
    %slice3A_409 = vector.extract_strided_slice %add3A_378 {offsets = [0, 6, 0], sizes = [64, 1, 256], strides = [1, 1, 1]} : vector<64x8x256xf32> to vector<64x1x256xf32>
    %squeeze3A_410 = vector.shape_cast %slice3A_409 : vector<64x1x256xf32> to vector<64x256xf32>
    %swap3A_411 = arith.constant 0 : index
    %swap3A_412 = arith.constant 1536 : index
    %swap3A_413 = vector.load %arg10[%swap3A_411, %swap3A_412] : memref<64x2048xf32, #tpu.memory_space<vmem>>, vector<64x256xf32>
    tpu.vector_store %arg10[%swap3A_411, %swap3A_412], %squeeze3A_410 {strides = array<i32>} : memref<64x2048xf32, #tpu.memory_space<vmem>>, vector<64x256xf32>,
    %slice3A_414 = vector.extract_strided_slice %add3A_378 {offsets = [0, 7, 0], sizes = [64, 1, 256], strides = [1, 1, 1]} : vector<64x8x256xf32> to vector<64x1x256xf32>
    %squeeze3A_415 = vector.shape_cast %slice3A_414 : vector<64x1x256xf32> to vector<64x256xf32>
    %swap3A_416 = arith.constant 0 : index
    %swap3A_417 = arith.constant 1792 : index
    %swap3A_418 = vector.load %arg10[%swap3A_416, %swap3A_417] : memref<64x2048xf32, #tpu.memory_space<vmem>>, vector<64x256xf32>
    tpu.vector_store %arg10[%swap3A_416, %swap3A_417], %squeeze3A_415 {strides = array<i32>} : memref<64x2048xf32, #tpu.memory_space<vmem>>, vector<64x256xf32>,
    return
  }
}

</mosaic_0001>

<sc_bundles>
// kernel: kernel.5.cloned.1.call-start
scs
__scs_entry_jumppad:
0x0: {  	(pc) =	sbr.rel $0x88, $3  }
0x1: {  	(tag) =	ssettag $0x0;
	lr =	simm.s32 $0x1  }
0x2: {  	[smem:$0x3F9A] =	sst lr;
	_ =	strace $0xD0000000  }
0x3: {  	_ = 	snop  }
0x4: {  	_ = 	snop  }
0x5: {  	_ = 	snop  }
0x6: {  	_ = 	snop  }
0x7: {  	_ = 	snop  }
__scs_overlays_trampoline_lowered:
0x8: {  	[smem:$0x3FA9] =	sst s0  }
0x9: {  	[smem:$0x3FAA] =	sst s1  }
0xa: {  	[smem:$0x3FAB] =	sst s2  }
0xb: {  	[smem:$0x3FAC] =	sst s3  }
0xc: {  	[smem:$0x3FAD] =	sst s4  }
0xd: {  	[smem:$0x3FAE] =	sst s5  }
0xe: {  	[smem:$0x3FAF] =	sst s6  }
0xf: {  	[smem:$0x3FB0] =	sst s7  }
0x10: {  	[smem:$0x3FB1] =	sst s8  }
0x11: {  	[smem:$0x3FB2] =	sst s9;
	s0 =	simm.s32 @!p0 $0x0  }
0x12: {  	s1 =	sld [smem:$0x3F98];
	s0 =	simm.s32 @p0 $0x1  }
0x13: {  	[smem:$0x3FB3] =	sst s0;
	s0 =	simm.s32 @!p1 $0x0  }
0x14: {  	s2 =	sld [smem:$0x3F97];
	s0 =	simm.s32 @p1 $0x1  }
0x15: {  	[smem:$0x3FB4] =	sst s0;
	s0 =	simm.s32 @!p2 $0x0  }
0x16: {  	s3 =	sld [smem:$0x3FDB];
	s0 =	simm.s32 @p2 $0x1  }
0x17: {  	s4 =	simm.s32 $0x1BF5;
	[smem:$0x3FB6] =	sst s0  }
0x18: {  	s0 =	sld [smem:$0x3F99];
	_ =	swait.ge [sflag:s4], $0x0  }
0x19: {  	s7 =	sld [smem:$0x3F9A]  }
0x1a: {  	s8 =	sadd.s32 $0xFFFFE003, lr  }
0x1b: {  	s9 =	sadd.s32 $0xFFFFFEF7, lr;
	s5 =	simm.s32 $0xFFFFFFFF;
	p2 =	slt.u32 s8, $0xFFFFF086  }
0x1c: {  	p1 =	slt.u32 s9, $0xF7A;
	s5 =	simm.s32 @!p2 $0x0  }
0x1d: {  	s5 =	simm.s32 @p1 $0x1;
	p0 =	seq.s32 s7, s2  }
0x1e: {  	s7 =	smul.u32 @!p0 $0xF7A, s2;
	p2 =	seq.s32 @!p0 s5, $0x0  }
0x1f: {  	s9 =	smul.u32 $0xF7A, s1;
	s8 =	simm.s32 @!p0 $0x1BF5;
	p2 =	por !p2, p0  }
0x20: {  	[sflag:s8] =	ssyncset.s32 @!p0 $0xFFFFF086;
	s6 =	sadd.s32 @!p0 s3, s7;
	s7 =	simm.s32 @!p0 $0x108  }
0x21: {  	s3 =	sadd.s32 s3, s9;
	s6 =	sadd.s32 @!p0 $0x88, s6;
	s7 =	simm.s32 @p2 $0x1082  }
0x22: {  	[simem:s7], [sflag:s8] =	dma.local @!p0 [hbm:s6], $0xF7A  }
0x23: {  	s9 =	sor.u32 $0xD0000000, s2;
	s6 =	simm.s32 $0x108;
	_ =	swait.ge @!p0 [sflag:s8], $0x0  }
0x24: {  	s3 =	sadd.s32 $0x88, s3;
	s6 =	simm.s32 @!p1 $0x1082;
	[sflag:s4] =	ssyncset.s32 $0xFFFFF086  }
0x25: {  	[simem:s6], [sflag:s4] =	dma.local [hbm:s3], $0xF7A  }
0x26: {  	[smem:$0x3F9A] =	sst s1;
	(tag) =	ssettag s2;
	_ =	strace s9  }
0x27: {  	s1 =	sld [smem:$0x3FAA]  }
0x28: {  	s2 =	sld [smem:$0x3FAB]  }
0x29: {  	s4 =	sld [smem:$0x3FAD]  }
0x2a: {  	p0 =	seq.s32 s5, $0x0;
	s5 =	sld [smem:$0x3FAE]  }
0x2b: {  	s6 =	sld [smem:$0x3FAF]  }
0x2c: {  	s7 =	sld [smem:$0x3FB0]  }
0x2d: {  	s3 =	simm.s32 $0x108;
	s8 =	sld [smem:$0x3FB1]  }
0x2e: {  	s3 =	simm.s32 @!p0 $0x1082;
	s9 =	sld [smem:$0x3FB2]  }
0x2f: {  	lr =	sadd.s32 s0, s3;
	s0 =	sld [smem:$0x3FA9]  }
0x30: {  	s3 =	sld [smem:$0x3FAC]  }
0x31: {  	[smem:$0x3FB5] =	sst s10  }
0x32: {  	s10 =	sld [smem:$0x3FB3];
	_ =	sdelay $0x3  }
0x33: {  	p0 =	seq.s32 s10, $0x1;
	s10 =	sld [smem:$0x3FB5];
	_ =	sdelay $0x3  }
0x34: {  	[smem:$0x3FB5] =	sst s10  }
0x35: {  	s10 =	sld [smem:$0x3FB4];
	_ =	sdelay $0x3  }
0x36: {  	p1 =	seq.s32 s10, $0x1;
	s10 =	sld [smem:$0x3FB5];
	_ =	sdelay $0x3  }
0x37: {  	[smem:$0x3FB5] =	sst s10  }
0x38: {  	s10 =	sld [smem:$0x3FB6]  }
0x39: {  	_ = 	snop;
	(pc) =	sbr.ind lr, $3  }
0x3a: {  	_ = 	snop  }
0x3b: {  	_ = 	snop  }
0x3c: {  	p2 =	seq.s32 s10, $0x1;
	s10 =	sld [smem:$0x3FB5]  }
0x3d: {  	_ =	shalt  }
0x3e: {  	_ =	shalt  }
0x3f: {  	_ =	shalt  }
0x40: {  	_ =	shalt  }
0x41: {  	_ =	shalt  }
0x42: {  	_ =	shalt  }
0x43: {  	_ =	shalt  }
0x44: {  	_ =	shalt  }
0x45: {  	_ =	shalt  }
0x46: {  	_ =	shalt  }
0x47: {  	_ =	shalt  }
0x48: {  	_ =	shalt  }
0x49: {  	_ =	shalt  }
0x4a: {  	_ =	shalt  }
0x4b: {  	_ =	shalt  }
0x4c: {  	_ =	shalt  }
0x4d: {  	_ =	shalt  }
0x4e: {  	_ =	shalt  }
0x4f: {  	_ =	shalt  }
0x50: {  	_ =	shalt  }
0x51: {  	_ =	shalt  }
0x52: {  	_ =	shalt  }
0x53: {  	_ =	shalt  }
0x54: {  	_ =	shalt  }
0x55: {  	_ =	shalt  }
0x56: {  	_ =	shalt  }
0x57: {  	_ =	shalt  }
0x58: {  	_ =	shalt  }
0x59: {  	_ =	shalt  }
0x5a: {  	_ =	shalt  }
0x5b: {  	_ =	shalt  }
0x5c: {  	_ =	shalt  }
0x5d: {  	_ =	shalt  }
0x5e: {  	_ =	shalt  }
0x5f: {  	_ =	shalt  }
0x60: {  	_ =	shalt  }
0x61: {  	_ =	shalt  }
0x62: {  	_ =	shalt  }
0x63: {  	_ =	shalt  }
0x64: {  	_ =	shalt  }
0x65: {  	_ =	shalt  }
0x66: {  	_ =	shalt  }
0x67: {  	_ =	shalt  }
0x68: {  	_ =	shalt  }
0x69: {  	_ =	shalt  }
0x6a: {  	_ =	shalt  }
0x6b: {  	_ =	shalt  }
0x6c: {  	_ =	shalt  }
0x6d: {  	_ =	shalt  }
0x6e: {  	_ =	shalt  }
0x6f: {  	_ =	shalt  }
0x70: {  	_ =	shalt  }
0x71: {  	_ =	shalt  }
0x72: {  	_ =	shalt  }
0x73: {  	_ =	shalt  }
0x74: {  	_ =	shalt  }
0x75: {  	_ =	shalt  }
0x76: {  	_ =	shalt  }
0x77: {  	_ =	shalt  }
0x78: {  	_ =	shalt  }
0x79: {  	_ =	shalt  }
0x7a: {  	_ =	shalt  }
0x7b: {  	_ =	shalt  }
0x7c: {  	_ =	shalt  }
0x7d: {  	_ =	shalt  }
0x7e: {  	_ =	shalt  }
0x7f: {  	_ =	shalt  }
0x80: {  	_ =	shalt  }
0x81: {  	_ =	shalt  }
0x82: {  	_ =	shalt  }
0x83: {  	_ =	shalt  }
0x84: {  	_ =	shalt  }
0x85: {  	_ =	shalt  }
0x86: {  	_ =	shalt  }
0x87: {  	_ =	shalt  }
.Lfunc_end0:
.L_simem_size_0:
called_computation_lowered:
.L_overlay_start_0:
0x88: {  	s2 =	sld [smem:$0x3FD9]  }
0x89: {  	s3 =	sld [smem:$0x3FFE];
	_ =	sdelay $0x1  }
0x8a: {  	s1 =	srdreg.scid  }
0x8b: {  	s0 =	sand.u32 $0x1, s1  }
0x8c: {  	s14 =	sshll.u32 s0, $0xA;
	s2 =	sadd.s32 s3, s2  }
0x8d: {  	s2 =	sadd.s32 s2, s14  }
0x8e: {  	[smem:$0x3FC1] =	sst s2  }
0x8f: {  	_ = 	snop  }
0x90: {  	s2 =	sld [smem:$0x3FD0];
	_ =	sdelay $0x2  }
0x91: {  	s4 =	simm.s32 $0xA;
	s5 =	simm.s32 $0x10;
	s15 =	sld [smem:$0x3FC9]  }
0x92: {  	[smem:s5], [sflag:s4] =	dma.local [hbm:s2], $0x1  }
0x93: {  	_ =	swait.eq [sflag:s4], $0x1  }
0x94: {  	[sflag:s4] =	ssyncset.done $0x0  }
0x95: {  	[sflag:s4] =	ssyncadd.s32 $0xFFFFFFFF  }
0x96: {  	s16 =	sld [smem:$0x11];
	(tm) =	ssettm $0x1  }
0x97: {  	s17 =	sld [smem:$0x3FFB];
	_ =	sdelay $0x3  }
0x98: {  	_ =	strace s17  }
0x99: {  	s4 =	sld [smem:$0x3FFC];
	_ =	sdelay $0x3  }
0x9a: {  	_ =	strace s4  }
0x9b: {  	s4 =	sld [smem:$0x3FFD];
	_ =	sdelay $0x3  }
0x9c: {  	_ =	strace s4  }
0x9d: {  	_ =	strace $0x8FFFFFFF  }
0x9e: {  	s18 =	sld [smem:$0x3FDB];
	_ =	sdelay $0x1  }
0x9f: {  	s19 =	simm.s32 $_scs_section_size  }
0xa0: {  	s6 =	simm.s32 $_size__tile_overlayer_lowered;
	s7 =	simm.s32 $_tile_overlayer_lowered  }
0xa1: {  	s22 =	simm.s32 $0x1BFF;
	s21 =	sshll.u32 s7, $0x1;
	s4 =	sadd.s32 s19, s18  }
0xa2: {  	s8 =	simm.s32 $0x0;
	s20 =	sshll.u32 s6, $0x1;
	s6 =	sadd.s32 s21, s4  }
0xa3: {  	[timem:s8], [sflag:s22] =	dma.local [hbm:s6], s20  }
0xa4: {  	_ =	swait.ge [sflag:s22], s20  }
0xa5: {  	s5 =	ssub.s32 $0x0, s20;
	[sflag:s22] =	ssyncset.done $0x0  }
0xa6: {  	[sflag:s22] =	ssyncadd.s32 s5;
	_ =	sdelay $0x1  }
0xa7: {  	s23 =	simm.s32 $0x1B8B  }
0xa8: {  	_ =	swait.ge [sflag:s23], $0x1  }
0xa9: {  	[sflag:s23] =	ssyncset.done $0x0  }
0xaa: {  	s25 =	simm.s32 $0x1B8E;
	s24 =	sld [smem:$0x3FFE];
	[sflag:s23] =	ssyncadd.s32 $0xFFFFFFFF  }
0xab: {  	s26 =	simm.s32 $execute0_lowered;
	[smem:$0x3FD2] =	sst s25  }
0xac: {  	s6 =	sshll.u32 s26, $0x1;
	_ =	strace $0x80000046;
	[dreg:$0x1] =	wrdreg $0xFFFFFFFF  }
0xad: {  	s28 =	simm.s32 $_size_execute0_lowered;
	s4 =	sadd.s32 s4, s6;
	[dreg:$0x0] =	wrdreg $0x0  }
0xae: {  	s6 =	sshll.u32 s28, $0x1;
	[dreg:$0x2] =	wrdreg s4  }
0xaf: {  	[dreg:$0x3] =	wrdreg s6  }
0xb0: {  	[dreg:$0x4] =	wrdreg $0xC0  }
0xb1: {  	_ =	task [dreg:s8], $0x5FFFF  }
0xb2: {  	[dreg:$0x1] =	wrdreg $0xFFFFFFFF  }
0xb3: {  	[dreg:$0x0] =	wrdreg $0x60  }
0xb4: {  	[dreg:$0x2] =	wrdreg s15  }
0xb5: {  	[dreg:$0x3] =	wrdreg s16  }
0xb6: {  	[dreg:$0x4] =	wrdreg s24  }
0xb7: {  	[dreg:$0x5] =	wrdreg $0x9  }
0xb8: {  	_ =	task.clear_ibuf [dreg:s8], $0x6FFFF;
	_ =	strace $0x90000046  }
0xb9: {  	s29 =	simm.s32 $0x9;
	_ =	strace $0x80000048  }
0xba: {  	_ =	swait.ge [sflag:s29], $0x1  }
0xbb: {  	[sflag:s29] =	ssyncadd.s32 $0xFFFFFFFF  }
0xbc: {  	_ =	strace $0x90000048  }
0xbd: {  	_ =	sfence  }
0xbe: {  	s30 =	sld [smem:$0x0];
	_ =	sdelay $0x2  }
0xbf: {  	s31 =	sshll.u32 s1, $0xD;
	s1 =	sshrl.u32 s1, $0x2  }
0xc0: {  	s3 =	sand.u32 $0x4000, s31;
	s1 =	sadd.s32 s1, s30  }
0xc1: {  	s0 =	sor.u32 s3, s0;
	s1 =	sshll.u32 s1, $0x11  }
0xc2: {  	s0 =	sor.u32 s1, s0  }
0xc3: {  	s0 =	sadd.s32 $0x8F2B, s0  }
0xc4: {  	[sflag:s0] =	ssyncadd.remote.s32 $0x1  }
0xc5: {  	_ =	sfence.sel $0xFFFF  }
0xc6: {  	[dreg:$0x0] =	wrdreg $0xFFFFFFFF;
	(pc) =	sbr.abs _section_cstart, $3  }
0xc7: {  	[dreg:$0x1] =	wrdreg $0xFFFFFFFF  }
0xc8: {  	_ =	task.clear_ibuf [dreg:s8], $0x2FFFF;
	_ =	strace $0x9FFFFFFF  }
0xc9: {  	(tm) =	ssettm $0x7FFFFFFF  }
tec
execute0_lowered:
.L_overlay_start_1:
0x0: {  	(tag) =	ssettag $0x1  }
0x1: {  	s1 =	rddreg [dreg:$0x0]  }
0x2: {  	s4 =	rddreg [dreg:$0x1]  }
0x3: {  	s5 =	rddreg [dreg:$0x2];
	s3 =	srdreg.scid  }
0x4: {  	s0 =	rddreg [dreg:$0x3];
	s2 =	stileid.u32;
	s10 =	simm.s32 $0x2  }
0x5: {  	s11 =	simm.s32 $0x80;
	s12 =	simm.s32 $0x880;
	s13 =	simm.s32 $0x1080  }
0x6: {  	s14 =	simm.s32 $0x1880;
	s15 =	simm.s32 $0x2080;
	s16 =	simm.s32 $0x2880  }
0x7: {  	s17 =	simm.s32 $0x3080;
	s18 =	simm.s32 $0x3880;
	s19 =	simm.s32 $0x4080  }
0x8: {  	s20 =	simm.s32 $0x4880;
	s21 =	simm.s32 $0x5080;
	s22 =	simm.s32 $0x5880  }
0x9: {  	s23 =	simm.s32 $0x6080;
	s24 =	simm.s32 $0x6880;
	s25 =	simm.s32 $0x7080  }
0xa: {  	s26 =	simm.s32 $0x7880;
	s28 =	simm.s32 $0x1;
	s6 =	sand.u32 $0x1, s3  }
0xb: {  	s3 =	simm.s32 $0x0;
	s7 =	sshll.u32 s2, $0x6;
	s8 =	sshll.u32 s6, $0x5  }
0xc: {  	[smem:$0x7FF] =	sst s3;
	s6 =	ssub.s32 $0x2, s6;
	s7 =	sor.u32 s8, s7  }
0xd: {  	_ =	strace $0x80000047;
	s9 =	sshrl.u32 s6, $0x1;
	s8 =	sshll.u32 s7, $0x7  }
0xe: {  	v2 =	vlaneseq.u32;
	s9 =	ssub.s32 s6, s9;
	s31 =	sshrl.u32 s7, $0x3;
	s6 =	sadd.s32 $0x200, s1  }
0xf: {  	vm0 =	vmmov $0xffff;
	v1 =	vshrl.u32 v2, $0x3;
	s7 =	sadd.s32 $0x300, s1;
	s8 =	sadd.s32 s8, s5;
	s4 =	sadd.s32 s4, s31  }
0x10: {  	v0 =	vand.u32 $0x7, v2;
	v2 =	vor.u32 $0x8, v2;
	v1 =	vmul.u32 $0x8, v1;
	s5 =	sadd.s32 $0x100, s1;
	s9 =	smax.u32 s9, $0x1;
	s8 =	sadd.s32 $0x1800, s8  }
.LBB2_1:
0x11: {  	[tilespmem:s3], [sflag:$0x2] =	stream.linear.gather [hbm4b:s4+s3], $0x20, $0x38;
	[tilespmem:$0x8080] =	vst v63  }
0x12: {  	_ =	swait.ge [sflag:s10], $0x20  }
0x13: {  	[sflag:s10] =	ssyncset.done $0x0  }
0x14: {  	[sflag:s10] =	ssyncadd.s32 $0xFFFFFFE0  }
0x15: {  	v3 =	vld [tilespmem:$0x0];
	_ =	sdelay $0x4  }
0x16: {  	v4 =	vshll.u32 v3, $0x3  }
0x17: {  	v3 =	vand.u32 $0x7, v3;
	v4 =	vand.u32 $0xFFFFFFC0, v4  }
0x18: {  	v3 =	vor.u32 v3, v4  }
0x19: {  	v4 =	vperm.xlane v3, v0;
	_ =	sdelay $0x1  }
0x1a: {  	v4 =	vadd.s32 v1, v4;
	_ =	sdelay $0x4  }
0x1b: {  	[tilespmem:s11], [sflag:$0x1] =	stream.indirect_vreg.gather [hbm4b:s1+s3], $0x80, v4, vm0, $0xb8;
	[tilespmem:$0x8080] =	vst v63  }
0x1c: {  	v3 =	vperm.xlane v3, v2  }
0x1d: {  	[tilespmem:s12], [sflag:$0x1] =	stream.indirect_vreg.gather [hbm4b:s5+s3], $0x80, v4, vm0, $0xb8;
	[tilespmem:$0x8080] =	vst v63  }
0x1e: {  	v3 =	vadd.s32 v1, v3  }
0x1f: {  	[tilespmem:s13], [sflag:$0x1] =	stream.indirect_vreg.gather [hbm4b:s6+s3], $0x80, v4, vm0, $0xb8;
	[tilespmem:$0x8080] =	vst v63  }
0x20: {  	_ = 	snop  }
0x21: {  	[tilespmem:s14], [sflag:$0x1] =	stream.indirect_vreg.gather [hbm4b:s7+s3], $0x80, v4, vm0, $0xb8;
	[tilespmem:$0x8080] =	vst v63  }
0x22: {  	_ = 	snop  }
0x23: {  	[tilespmem:s15], [sflag:$0x1] =	stream.indirect_vreg.gather [hbm4b:s1+s3], $0x80, v3, vm0, $0xb8;
	[tilespmem:$0x8080] =	vst v63  }
0x24: {  	_ = 	snop  }
0x25: {  	[tilespmem:s16], [sflag:$0x1] =	stream.indirect_vreg.gather [hbm4b:s5+s3], $0x80, v3, vm0, $0xb8;
	[tilespmem:$0x8080] =	vst v63  }
0x26: {  	_ = 	snop  }
0x27: {  	[tilespmem:s17], [sflag:$0x1] =	stream.indirect_vreg.gather [hbm4b:s6+s3], $0x80, v3, vm0, $0xb8;
	[tilespmem:$0x8080] =	vst v63  }
0x28: {  	_ = 	snop  }
0x29: {  	[tilespmem:s18], [sflag:$0x1] =	stream.indirect_vreg.gather [hbm4b:s7+s3], $0x80, v3, vm0, $0xb8;
	[tilespmem:$0x8080] =	vst v63  }
0x2a: {  	v3 =	vld [tilespmem:$0x10];
	_ =	sdelay $0x4  }
0x2b: {  	v63 =	vshll.u32 v3, $0x3  }
0x2c: {  	v3 =	vand.u32 $0x7, v3;
	v4 =	vand.u32 $0xFFFFFFC0, v63  }
0x2d: {  	v3 =	vor.u32 v3, v4  }
0x2e: {  	v4 =	vperm.xlane v3, v0;
	_ =	sdelay $0x1  }
0x2f: {  	v4 =	vadd.s32 v1, v4;
	_ =	sdelay $0x4  }
0x30: {  	[tilespmem:s19], [sflag:$0x1] =	stream.indirect_vreg.gather [hbm4b:s1+s3], $0x80, v4, vm0, $0xb8;
	[tilespmem:$0x8080] =	vst v63  }
0x31: {  	v3 =	vperm.xlane v3, v2  }
0x32: {  	[tilespmem:s20], [sflag:$0x1] =	stream.indirect_vreg.gather [hbm4b:s5+s3], $0x80, v4, vm0, $0xb8;
	[tilespmem:$0x8080] =	vst v63  }
0x33: {  	v3 =	vadd.s32 v1, v3  }
0x34: {  	[tilespmem:s21], [sflag:$0x1] =	stream.indirect_vreg.gather [hbm4b:s6+s3], $0x80, v4, vm0, $0xb8;
	[tilespmem:$0x8080] =	vst v63  }
0x35: {  	_ = 	snop  }
0x36: {  	[tilespmem:s22], [sflag:$0x1] =	stream.indirect_vreg.gather [hbm4b:s7+s3], $0x80, v4, vm0, $0xb8;
	[tilespmem:$0x8080] =	vst v63  }
0x37: {  	_ = 	snop  }
0x38: {  	[tilespmem:s23], [sflag:$0x1] =	stream.indirect_vreg.gather [hbm4b:s1+s3], $0x80, v3, vm0, $0xb8;
	[tilespmem:$0x8080] =	vst v63  }
0x39: {  	_ = 	snop  }
0x3a: {  	[tilespmem:s24], [sflag:$0x1] =	stream.indirect_vreg.gather [hbm4b:s5+s3], $0x80, v3, vm0, $0xb8;
	[tilespmem:$0x8080] =	vst v63  }
0x3b: {  	_ = 	snop  }
0x3c: {  	[tilespmem:s25], [sflag:$0x1] =	stream.indirect_vreg.gather [hbm4b:s6+s3], $0x80, v3, vm0, $0xb8;
	[tilespmem:$0x8080] =	vst v63  }
0x3d: {  	_ = 	snop  }
0x3e: {  	[tilespmem:s26], [sflag:$0x1] =	stream.indirect_vreg.gather [hbm4b:s7+s3], $0x80, v3, vm0, $0xb8;
	[tilespmem:$0x8080] =	vst v63  }
0x3f: {  	_ =	swait.ge [sflag:s28], $0x8000  }
0x40: {  	p0 =	sne.s32 s9, $0x1;
	[sflag:s28] =	ssyncset.done $0x0  }
.Ltmp0:
0x41: {  	[sflag:s28] =	ssyncadd.s32 $0xFFFF8000;
	(pc) =	sbr.rel @p0 .LBB2_1-.Ltmp0, $4  }
0x42: {  	[hbm4b:s8+s3] =	stream.linear.scatter [tilespmem:s11], [sflag:$0x2], $0x8000, $0x38;
	[tilespmem:$0x8080] =	vst v63  }
0x43: {  	_ =	swait.ge [sflag:s10], $0x8000  }
0x44: {  	[sflag:s10] =	ssyncset.done $0x0  }
0x45: {  	s9 =	sadd.s32 $0xFFFFFFFF, s9;
	[sflag:s10] =	ssyncadd.s32 $0xFFFF8000  }
0x46: {  	_ =	sfence.sel $0x180000  }
0x47: {  	[bflag:$0x0] =	sbarrier.arrive $0xFFFF  }
0x48: {  	p0 =	sne.s32 s2, $0x0;
	_ =	strace $0x90000047  }
0x49: {  	s0 =	sadd.s32 @!p0 $0x100000, s0;
	[bflag:$0x2] =	sbarrier.arrive $0xFFFF  }
0x4a: {  	[sflag:s0] =	ssyncadd.tile.s32 @!p0 $0x1;
	_ =	shalt  }
.Lfunc_end2:
_tile_overlayer_lowered:
.L_overlay_start_2:
0x4b: {  	(tag) =	ssettag $0x2  }
0x4c: {  	s0 =	rddreg [dreg:$0x0];
	s2 =	stileid.u32  }
0x4d: {  	s1 =	rddreg [dreg:$0x1];
	p0 =	sne.s32 s2, $0x0  }
0x4e: {  	s3 =	rddreg [dreg:$0x2];
	[bflag:$0x3] =	sbarrier.arrive $0xFFFF;
	s2 =	simm.s32 @!p0 $0x1C02  }
0x4f: {  	[timem:s3], [sflag:s2] =	dma.local @!p0 [hbm:s0], s1  }
0x50: {  	s0 =	simm.s32 @!p0 $0x2  }
0x51: {  	_ =	swait.ge @!p0 [sflag:s0], s1  }
0x52: {  	s1 =	ssub.s32 @!p0 $0x0, s1;
	[sflag:s0] =	ssyncset.done @!p0 $0x0  }
0x53: {  	[sflag:s0] =	ssyncadd.s32 @!p0 s1  }
0x54: {  	[bflag:$0x3] =	sbarrier.arrive $0xFFFF  }
0x55: {  	_ =	shalt  }

</sc_bundles>
